<compile_context>
chip_gen: v7x
topology: tpu7x:2x2x1
jax: 0.10.2.dev20260603
libtpu: 0.0.44.dev20260713+nightly
codegen_flags: <defaults>
</compile_context>

<pallas_src>
import functools

import jax
import jax.numpy as jnp
from jax import lax
from jax.experimental import pallas as pl
from jax.experimental.pallas import tpu as pltpu
from jax.experimental.pallas import tpu_sc as plsc

N = 10000
E = 320000
D = 128

NC = 2
NS = 16
NW = NC * NS

K = 128
CH = 80
PH = CH // 2
EPT = CH * K
E2 = EPT * NW

DEGP = 10240
DROW = DEGP // NS

NP = 10112
RPT = NP // NS

_mesh = plsc.VectorSubcoreMesh(core_axis_name="c", subcore_axis_name="s")


@functools.partial(
    pl.kernel,
    out_type=jax.ShapeDtypeStruct((NC, DEGP), jnp.float32),
    mesh=_mesh,
    scratch_types=[
        pltpu.VMEM((CH, K), jnp.int32),
        pltpu.VMEM((K,), jnp.float32),
        pltpu.VMEM((DROW,), jnp.float32),
        pltpu.VMEM_SHARED((DEGP,), jnp.float32),
    ],
)
def _sc_deg(dst_hbm, out_hbm, didx, ones_v, zbuf, deg_s):
    c = lax.axis_index("c")
    s = lax.axis_index("s")
    wid = c * NS + s
    pltpu.sync_copy(dst_hbm.at[wid], didx)
    for j in range(K // 16):
        ones_v[pl.ds(j * 16, 16)] = jnp.ones((16,), jnp.float32)
    for j in range(DROW // 16):
        zbuf[pl.ds(j * 16, 16)] = jnp.zeros((16,), jnp.float32)
    pltpu.sync_copy(zbuf, deg_s.at[pl.ds(s * DROW, DROW)])
    plsc.subcore_barrier()

    def body(i, carry):
        pltpu.sync_copy(ones_v, deg_s.at[didx.at[i]], add=True)
        return carry

    lax.fori_loop(0, CH, body, 0)
    plsc.subcore_barrier()
    pltpu.sync_copy(deg_s.at[pl.ds(s * DROW, DROW)],
                    out_hbm.at[c, pl.ds(s * DROW, DROW)])


@functools.partial(
    pl.kernel,
    out_type=jax.ShapeDtypeStruct((NC, NP, D), jnp.float32),
    mesh=_mesh,
    scratch_types=[
        pltpu.VMEM((PH, K), jnp.int32),
        pltpu.VMEM((PH, K), jnp.int32),
        pltpu.VMEM((K, D), jnp.float32),
        pltpu.VMEM((K, D), jnp.float32),
        pltpu.VMEM_SHARED((NP, D), jnp.float32),
        pltpu.SemaphoreType.DMA,
        pltpu.SemaphoreType.DMA,
        pltpu.SemaphoreType.DMA,
        pltpu.SemaphoreType.DMA,
    ],
)
def _sc_msg(xs_hbm, src_hbm, dst_hbm, zrow_hbm, out_hbm,
            sidx, didx, rows0, rows1, acc_s, sG0, sG1, sS0, sS1):
    c = lax.axis_index("c")
    s = lax.axis_index("s")
    wid = c * NS + s
    base = s * RPT
    pltpu.sync_copy(zrow_hbm, rows0)
    sizes = [K, K, K, K, RPT - 4 * K]
    off = 0
    for sz in sizes:
        pltpu.sync_copy(rows0.at[pl.ds(0, sz)],
                        acc_s.at[pl.ds(base + off, sz)])
        off += sz
    plsc.subcore_barrier()

    HK = K // 2

    def start_g(j, rows_b, sem):
        pltpu.async_copy(xs_hbm.at[sidx.at[j, pl.ds(0, HK)]],
                         rows_b.at[pl.ds(0, HK)], sem)
        pltpu.async_copy(xs_hbm.at[sidx.at[j, pl.ds(HK, HK)]],
                         rows_b.at[pl.ds(HK, HK)], sem)

    def wait_g(rows_b, sem):
        for _ in range(2):
            pltpu.make_async_copy(xs_hbm.at[pl.ds(0, HK)],
                                  rows_b.at[pl.ds(0, HK)], sem).wait()

    def wait_s(rows_b, sem):
        pltpu.make_async_copy(rows_b, acc_s.at[pl.ds(0, K)], sem).wait()

    def body(m, carry):
        a = 2 * m
        wait_g(rows0, sG0)

        @pl.when(m > 0)
        def _():
            wait_s(rows1, sS1)

        start_g(a + 1, rows1, sG1)
        pltpu.async_copy(rows0, acc_s.at[didx.at[a]], sS0, add=True)
        wait_g(rows1, sG1)
        wait_s(rows0, sS0)

        @pl.when(a + 2 < PH)
        def _():
            start_g(a + 2, rows0, sG0)

        pltpu.async_copy(rows1, acc_s.at[didx.at[a + 1]], sS1, add=True)
        return carry

    for ph in range(CH // PH):
        pltpu.sync_copy(src_hbm.at[wid, pl.ds(ph * PH, PH)], sidx)
        pltpu.sync_copy(dst_hbm.at[wid, pl.ds(ph * PH, PH)], didx)
        start_g(0, rows0, sG0)
        lax.fori_loop(0, PH // 2, body, 0)
        wait_s(rows1, sS1)

    plsc.subcore_barrier()
    pltpu.sync_copy(acc_s.at[pl.ds(base, RPT)],
                    out_hbm.at[c, pl.ds(base, RPT)])


def _dinv_col(degp_ref):
    dp = degp_ref[:, pl.ds(0, N)]
    dsum = dp[0:1, :] + dp[1:2, :] + 1.0
    return lax.rsqrt(jnp.transpose(dsum, (1, 0)))


def _tc_mm_body(h_ref, w_ref, x_ref):
    x_ref[:, :] = jnp.dot(h_ref[:, :], w_ref[:, :],
                          preferred_element_type=jnp.float32)


_tc_mm = pl.pallas_call(
    _tc_mm_body,
    out_shape=jax.ShapeDtypeStruct((N, D), jnp.float32),
)


def _tc_scale_body(x_ref, degp_ref, xs_ref):
    xs_ref[pl.ds(0, N), :] = x_ref[:, :] * _dinv_col(degp_ref)
    xs_ref[pl.ds(N, NP - N), :] = jnp.zeros((NP - N, D), jnp.float32)


_tc_scale = pl.pallas_call(
    _tc_scale_body,
    out_shape=jax.ShapeDtypeStruct((NP, D), jnp.float32),
)


def _tc_fin_body(accp_ref, xs_ref, degp_ref, b_ref, g_ref, be_ref, out_ref):
    dinv = _dinv_col(degp_ref)
    agg = (accp_ref[0, pl.ds(0, N), :] + accp_ref[1, pl.ds(0, N), :]
           + xs_ref[pl.ds(0, N), :])
    o = agg * dinv + b_ref[:, :]
    mu = jnp.mean(o, axis=-1, keepdims=True)
    cen = o - mu
    var = jnp.mean(cen * cen, axis=-1, keepdims=True)
    y = cen * lax.rsqrt(var + 1e-5) * g_ref[:, :] + be_ref[:, :]
    out_ref[:, :] = jnp.tanh(y)


_tc_fin = pl.pallas_call(
    _tc_fin_body,
    out_shape=jax.ShapeDtypeStruct((N, D), jnp.float32),
)


def kernel(t, h, edge_index, batch_size, W, b, gamma, beta):
    if h.ndim == 1:
        h = h[None, :]
    pad = N + (jnp.arange(E2 - E, dtype=edge_index.dtype) % (NP - N))
    src = jnp.concatenate([edge_index[0], pad]).reshape(NW, CH, K)
    dst = jnp.concatenate([edge_index[1], pad]).reshape(NW, CH, K)
    zrow = jnp.zeros((K, D), jnp.float32)

    degp = _sc_deg(dst)
    x = _tc_mm(h, W)
    xs = _tc_scale(x, degp)
    accp = _sc_msg(xs, src, dst, zrow)
    dh = _tc_fin(accp, xs, degp, b[None, :], gamma[None, :], beta[None, :])
    return (dh, jnp.zeros_like(edge_index), jnp.zeros_like(batch_size))

# --- scband reference (transcript-rebuilt; emitter-appended) ---
"""Pipeline reference for scband-odefunc-25185688224003 (READ-ONLY COPY).

The authoritative reference and input builder live on the scoring server;
editing this copy changes nothing except your own understanding.
"""

import jax, jax.numpy as jnp
import numpy as np

N = 10000
E = 320000
D = 128


def gcn_conv(h, edge_index, W, b):
    # Standard PyG GCNConv: add self-loops, symmetric degree normalization,
    # linear transform, scatter-add aggregation, bias.
    n = h.shape[0]
    src = edge_index[0]
    dst = edge_index[1]
    loop = jnp.arange(n, dtype=src.dtype)
    src = jnp.concatenate([src, loop])
    dst = jnp.concatenate([dst, loop])
    x = h @ W
    deg = jnp.zeros((n,), x.dtype).at[dst].add(jnp.ones_like(dst, dtype=x.dtype))
    dinv = jnp.where(deg > 0, jax.lax.rsqrt(jnp.maximum(deg, 1e-12)), 0.0)
    norm = dinv[src] * dinv[dst]
    msg = jnp.take(x, src, axis=0) * norm[:, None]
    out = jnp.zeros((n, x.shape[1]), x.dtype).at[dst].add(msg)
    return out + b


def layer_norm(x, gamma, beta, eps=1e-5):
    mu = jnp.mean(x, axis=-1, keepdims=True)
    var = jnp.var(x, axis=-1, keepdims=True)
    return (x - mu) * jax.lax.rsqrt(var + eps) * gamma + beta


def setup_inputs(seed: int = 0) -> dict:
    key = jax.random.key(seed)
    k1, k2, k3 = jax.random.split(key, 3)
    h = jax.random.normal(k1, (N, D), dtype=jnp.float32)
    edge_index = jax.random.randint(k2, (2, E), 0, N, dtype=jnp.int32)
    t = jnp.zeros((1,), dtype=jnp.float32)
    batch_size = jnp.ones((1,), dtype=jnp.int32)
    W = jax.random.normal(k3, (D, D), dtype=jnp.float32) / np.sqrt(D)
    b = jnp.zeros((D,), dtype=jnp.float32)
    gamma = jnp.ones((D,), dtype=jnp.float32)
    beta = jnp.zeros((D,), dtype=jnp.float32)
    return {"t": t, "h": h, "edge_index": edge_index, "batch_size": batch_size,
            "W": W, "b": b, "gamma": gamma, "beta": beta}


def reference(t, h, edge_index, batch_size, W, b, gamma, beta):
    # ODEFunc.forward: dh = tanh(LayerNorm(GCNConv(h, edge_index)))
    if h.ndim == 1:
        h = h[None, :]
    dh = gcn_conv(h, edge_index, W, b)
    dh = layer_norm(dh, gamma, beta)
    dh = jnp.tanh(dh)
    return (dh, jnp.zeros_like(edge_index), jnp.zeros_like(batch_size))

if __name__ == "__main__":
    import jax
    _d = setup_inputs()
    print(jax.jit(kernel)(*tuple(_d.values())))

</pallas_src>

<mosaic_0001>
#map = affine_map<(d0, d1) -> (0, 0, 0)>
#map1 = affine_map<(d0, d1) -> (0, 0)>
module attributes {stable_mosaic.version = 14 : i64} {
  func.func @_sc_deg(%arg0: i32, %arg1: i32, %arg2: memref<32x80x128xi32, #tpu.memory_space<hbm>>, %arg3: memref<2x10240xf32, #tpu.memory_space<hbm>>, %arg4: memref<80x128xi32, #tpu.memory_space<vmem>>, %arg5: memref<128xf32, #tpu.memory_space<vmem>>, %arg6: memref<640xf32, #tpu.memory_space<vmem>>, %arg7: memref<10240xf32, #tpu.memory_space<vmem_shared>>) attributes {dimension_semantics = [#tpu.dimension_semantics<core_parallel>, #tpu.dimension_semantics<subcore_parallel>], iteration_bounds = array<i64: 2, 16>, scalar_prefetch = 0 : i64, scratch_operands = 4 : i64, tpu.core_type = #tpu.core_type<sc_vector_subcore>, window_params = [{transform_indices = #map}, {transform_indices = #map1}]} {
    %mul3A = arith.constant 16 : i32
    %mul3A_0 = arith.muli %arg0, %mul3A : i32
    %add3A = arith.addi %mul3A_0, %arg1 : i32
    "tpu.region"() ({
      %run_scoped3A = tpu.sem_alloc : memref<!tpu.dma_semaphore, #tpu.memory_space<semaphore_mem>>
      %dma_start3A = arith.constant 0 : i32
      %dma_start3A_299 = arith.constant 0 : i32
      %dma_start3A_300 = tpu.memref_slice %arg2[%add3A, %dma_start3A, %dma_start3A_299] : memref<32x80x128xi32, #tpu.memory_space<hbm>> -> memref<1x80x128xi32, #tpu.memory_space<hbm>>
      %dma_start3A_301 = tpu.memref_squeeze %dma_start3A_300 : memref<1x80x128xi32, #tpu.memory_space<hbm>> -> memref<80x128xi32, #tpu.memory_space<hbm>>
      %dma_start3A_302 = arith.constant 0 : i32
      %dma_start3A_303 = arith.constant 0 : i32
      %dma_start3A_304 = tpu.memref_slice %arg2[%add3A, %dma_start3A_302, %dma_start3A_303] : memref<32x80x128xi32, #tpu.memory_space<hbm>> -> memref<1x80x128xi32, #tpu.memory_space<hbm>>
      %dma_start3A_305 = tpu.memref_squeeze %dma_start3A_304 : memref<1x80x128xi32, #tpu.memory_space<hbm>> -> memref<80x128xi32, #tpu.memory_space<hbm>>
      tpu.enqueue_dma source(%dma_start3A_305 : memref<80x128xi32, #tpu.memory_space<hbm>>) target(%arg4 : memref<80x128xi32, #tpu.memory_space<vmem>>) target_semaphore(%run_scoped3A : memref<!tpu.dma_semaphore, #tpu.memory_space<semaphore_mem>>)
      %dma_wait3A = arith.constant 0 : i32
      %dma_wait3A_306 = arith.constant 0 : i32
      %dma_wait3A_307 = tpu.memref_slice %arg2[%add3A, %dma_wait3A, %dma_wait3A_306] : memref<32x80x128xi32, #tpu.memory_space<hbm>> -> memref<1x80x128xi32, #tpu.memory_space<hbm>>
      %dma_wait3A_308 = tpu.memref_squeeze %dma_wait3A_307 : memref<1x80x128xi32, #tpu.memory_space<hbm>> -> memref<80x128xi32, #tpu.memory_space<hbm>>
      %dma_wait3A_309 = arith.constant 0 : i32
      %dma_wait3A_310 = arith.constant 0 : i32
      %dma_wait3A_311 = tpu.memref_slice %arg2[%add3A, %dma_wait3A_309, %dma_wait3A_310] : memref<32x80x128xi32, #tpu.memory_space<hbm>> -> memref<1x80x128xi32, #tpu.memory_space<hbm>>
      %dma_wait3A_312 = tpu.memref_squeeze %dma_wait3A_311 : memref<1x80x128xi32, #tpu.memory_space<hbm>> -> memref<80x128xi32, #tpu.memory_space<hbm>>
      tpu.wait_dma2 semaphore(%run_scoped3A : memref<!tpu.dma_semaphore, #tpu.memory_space<semaphore_mem>>) src(%dma_wait3A_312 : memref<80x128xi32, #tpu.memory_space<hbm>>) dst(%arg4 : memref<80x128xi32, #tpu.memory_space<vmem>>)
      tpu.yield
    }) : () -> ()
    %broadcast_in_dim3A = arith.constant 1.000000e+00 : f32
    %broadcast_in_dim3A_1 = vector.broadcast %broadcast_in_dim3A : f32 to vector<16xf32>
    %swap3A = arith.constant 0 : index
    %swap3A_2 = tpu.vector_load %arg5[%swap3A] {strides = array<i32>} : memref<128xf32, #tpu.memory_space<vmem>>, vector<16xf32>,
    %swap3A_3 = vector.shape_cast %swap3A_2 : vector<16xf32> to vector<16xf32>
    %swap3A_4 = vector.shape_cast %broadcast_in_dim3A_1 : vector<16xf32> to vector<16xf32>
    tpu.vector_store %arg5[%swap3A], %swap3A_4 {strides = array<i32>} : memref<128xf32, #tpu.memory_space<vmem>>, vector<16xf32>,
    %broadcast_in_dim3A_5 = arith.constant 1.000000e+00 : f32
    %broadcast_in_dim3A_6 = vector.broadcast %broadcast_in_dim3A_5 : f32 to vector<16xf32>
    %swap3A_7 = arith.constant 16 : index
    %swap3A_8 = tpu.vector_load %arg5[%swap3A_7] {strides = array<i32>} : memref<128xf32, #tpu.memory_space<vmem>>, vector<16xf32>,
    %swap3A_9 = vector.shape_cast %swap3A_8 : vector<16xf32> to vector<16xf32>
    %swap3A_10 = vector.shape_cast %broadcast_in_dim3A_6 : vector<16xf32> to vector<16xf32>
    tpu.vector_store %arg5[%swap3A_7], %swap3A_10 {strides = array<i32>} : memref<128xf32, #tpu.memory_space<vmem>>, vector<16xf32>,
    %broadcast_in_dim3A_11 = arith.constant 1.000000e+00 : f32
    %broadcast_in_dim3A_12 = vector.broadcast %broadcast_in_dim3A_11 : f32 to vector<16xf32>
    %swap3A_13 = arith.constant 32 : index
    %swap3A_14 = tpu.vector_load %arg5[%swap3A_13] {strides = array<i32>} : memref<128xf32, #tpu.memory_space<vmem>>, vector<16xf32>,
    %swap3A_15 = vector.shape_cast %swap3A_14 : vector<16xf32> to vector<16xf32>
    %swap3A_16 = vector.shape_cast %broadcast_in_dim3A_12 : vector<16xf32> to vector<16xf32>
    tpu.vector_store %arg5[%swap3A_13], %swap3A_16 {strides = array<i32>} : memref<128xf32, #tpu.memory_space<vmem>>, vector<16xf32>,
    %broadcast_in_dim3A_17 = arith.constant 1.000000e+00 : f32
    %broadcast_in_dim3A_18 = vector.broadcast %broadcast_in_dim3A_17 : f32 to vector<16xf32>
    %swap3A_19 = arith.constant 48 : index
    %swap3A_20 = tpu.vector_load %arg5[%swap3A_19] {strides = array<i32>} : memref<128xf32, #tpu.memory_space<vmem>>, vector<16xf32>,
    %swap3A_21 = vector.shape_cast %swap3A_20 : vector<16xf32> to vector<16xf32>
    %swap3A_22 = vector.shape_cast %broadcast_in_dim3A_18 : vector<16xf32> to vector<16xf32>
    tpu.vector_store %arg5[%swap3A_19], %swap3A_22 {strides = array<i32>} : memref<128xf32, #tpu.memory_space<vmem>>, vector<16xf32>,
    %broadcast_in_dim3A_23 = arith.constant 1.000000e+00 : f32
    %broadcast_in_dim3A_24 = vector.broadcast %broadcast_in_dim3A_23 : f32 to vector<16xf32>
    %swap3A_25 = arith.constant 64 : index
    %swap3A_26 = tpu.vector_load %arg5[%swap3A_25] {strides = array<i32>} : memref<128xf32, #tpu.memory_space<vmem>>, vector<16xf32>,
    %swap3A_27 = vector.shape_cast %swap3A_26 : vector<16xf32> to vector<16xf32>
    %swap3A_28 = vector.shape_cast %broadcast_in_dim3A_24 : vector<16xf32> to vector<16xf32>
    tpu.vector_store %arg5[%swap3A_25], %swap3A_28 {strides = array<i32>} : memref<128xf32, #tpu.memory_space<vmem>>, vector<16xf32>,
    %broadcast_in_dim3A_29 = arith.constant 1.000000e+00 : f32
    %broadcast_in_dim3A_30 = vector.broadcast %broadcast_in_dim3A_29 : f32 to vector<16xf32>
    %swap3A_31 = arith.constant 80 : index
    %swap3A_32 = tpu.vector_load %arg5[%swap3A_31] {strides = array<i32>} : memref<128xf32, #tpu.memory_space<vmem>>, vector<16xf32>,
    %swap3A_33 = vector.shape_cast %swap3A_32 : vector<16xf32> to vector<16xf32>
    %swap3A_34 = vector.shape_cast %broadcast_in_dim3A_30 : vector<16xf32> to vector<16xf32>
    tpu.vector_store %arg5[%swap3A_31], %swap3A_34 {strides = array<i32>} : memref<128xf32, #tpu.memory_space<vmem>>, vector<16xf32>,
    %broadcast_in_dim3A_35 = arith.constant 1.000000e+00 : f32
    %broadcast_in_dim3A_36 = vector.broadcast %broadcast_in_dim3A_35 : f32 to vector<16xf32>
    %swap3A_37 = arith.constant 96 : index
    %swap3A_38 = tpu.vector_load %arg5[%swap3A_37] {strides = array<i32>} : memref<128xf32, #tpu.memory_space<vmem>>, vector<16xf32>,
    %swap3A_39 = vector.shape_cast %swap3A_38 : vector<16xf32> to vector<16xf32>
    %swap3A_40 = vector.shape_cast %broadcast_in_dim3A_36 : vector<16xf32> to vector<16xf32>
    tpu.vector_store %arg5[%swap3A_37], %swap3A_40 {strides = array<i32>} : memref<128xf32, #tpu.memory_space<vmem>>, vector<16xf32>,
    %broadcast_in_dim3A_41 = arith.constant 1.000000e+00 : f32
    %broadcast_in_dim3A_42 = vector.broadcast %broadcast_in_dim3A_41 : f32 to vector<16xf32>
    %swap3A_43 = arith.constant 112 : index
    %swap3A_44 = tpu.vector_load %arg5[%swap3A_43] {strides = array<i32>} : memref<128xf32, #tpu.memory_space<vmem>>, vector<16xf32>,
    %swap3A_45 = vector.shape_cast %swap3A_44 : vector<16xf32> to vector<16xf32>
    %swap3A_46 = vector.shape_cast %broadcast_in_dim3A_42 : vector<16xf32> to vector<16xf32>
    tpu.vector_store %arg5[%swap3A_43], %swap3A_46 {strides = array<i32>} : memref<128xf32, #tpu.memory_space<vmem>>, vector<16xf32>,
    %broadcast_in_dim3A_47 = arith.constant 0.000000e+00 : f32
    %broadcast_in_dim3A_48 = vector.broadcast %broadcast_in_dim3A_47 : f32 to vector<16xf32>
    %swap3A_49 = arith.constant 0 : index
    %swap3A_50 = tpu.vector_load %arg6[%swap3A_49] {strides = array<i32>} : memref<640xf32, #tpu.memory_space<vmem>>, vector<16xf32>,
    %swap3A_51 = vector.shape_cast %swap3A_50 : vector<16xf32> to vector<16xf32>
    %swap3A_52 = vector.shape_cast %broadcast_in_dim3A_48 : vector<16xf32> to vector<16xf32>
    tpu.vector_store %arg6[%swap3A_49], %swap3A_52 {strides = array<i32>} : memref<640xf32, #tpu.memory_space<vmem>>, vector<16xf32>,
    %broadcast_in_dim3A_53 = arith.constant 0.000000e+00 : f32
    %broadcast_in_dim3A_54 = vector.broadcast %broadcast_in_dim3A_53 : f32 to vector<16xf32>
    %swap3A_55 = arith.constant 16 : index
    %swap3A_56 = tpu.vector_load %arg6[%swap3A_55] {strides = array<i32>} : memref<640xf32, #tpu.memory_space<vmem>>, vector<16xf32>,
    %swap3A_57 = vector.shape_cast %swap3A_56 : vector<16xf32> to vector<16xf32>
    %swap3A_58 = vector.shape_cast %broadcast_in_dim3A_54 : vector<16xf32> to vector<16xf32>
    tpu.vector_store %arg6[%swap3A_55], %swap3A_58 {strides = array<i32>} : memref<640xf32, #tpu.memory_space<vmem>>, vector<16xf32>,
    %broadcast_in_dim3A_59 = arith.constant 0.000000e+00 : f32
    %broadcast_in_dim3A_60 = vector.broadcast %broadcast_in_dim3A_59 : f32 to vector<16xf32>
    %swap3A_61 = arith.constant 32 : index
    %swap3A_62 = tpu.vector_load %arg6[%swap3A_61] {strides = array<i32>} : memref<640xf32, #tpu.memory_space<vmem>>, vector<16xf32>,
    %swap3A_63 = vector.shape_cast %swap3A_62 : vector<16xf32> to vector<16xf32>
    %swap3A_64 = vector.shape_cast %broadcast_in_dim3A_60 : vector<16xf32> to vector<16xf32>
    tpu.vector_store %arg6[%swap3A_61], %swap3A_64 {strides = array<i32>} : memref<640xf32, #tpu.memory_space<vmem>>, vector<16xf32>,
    %broadcast_in_dim3A_65 = arith.constant 0.000000e+00 : f32
    %broadcast_in_dim3A_66 = vector.broadcast %broadcast_in_dim3A_65 : f32 to vector<16xf32>
    %swap3A_67 = arith.constant 48 : index
    %swap3A_68 = tpu.vector_load %arg6[%swap3A_67] {strides = array<i32>} : memref<640xf32, #tpu.memory_space<vmem>>, vector<16xf32>,
    %swap3A_69 = vector.shape_cast %swap3A_68 : vector<16xf32> to vector<16xf32>
    %swap3A_70 = vector.shape_cast %broadcast_in_dim3A_66 : vector<16xf32> to vector<16xf32>
    tpu.vector_store %arg6[%swap3A_67], %swap3A_70 {strides = array<i32>} : memref<640xf32, #tpu.memory_space<vmem>>, vector<16xf32>,
    %broadcast_in_dim3A_71 = arith.constant 0.000000e+00 : f32
    %broadcast_in_dim3A_72 = vector.broadcast %broadcast_in_dim3A_71 : f32 to vector<16xf32>
    %swap3A_73 = arith.constant 64 : index
    %swap3A_74 = tpu.vector_load %arg6[%swap3A_73] {strides = array<i32>} : memref<640xf32, #tpu.memory_space<vmem>>, vector<16xf32>,
    %swap3A_75 = vector.shape_cast %swap3A_74 : vector<16xf32> to vector<16xf32>
    %swap3A_76 = vector.shape_cast %broadcast_in_dim3A_72 : vector<16xf32> to vector<16xf32>
    tpu.vector_store %arg6[%swap3A_73], %swap3A_76 {strides = array<i32>} : memref<640xf32, #tpu.memory_space<vmem>>, vector<16xf32>,
    %broadcast_in_dim3A_77 = arith.constant 0.000000e+00 : f32
    %broadcast_in_dim3A_78 = vector.broadcast %broadcast_in_dim3A_77 : f32 to vector<16xf32>
    %swap3A_79 = arith.constant 80 : index
    %swap3A_80 = tpu.vector_load %arg6[%swap3A_79] {strides = array<i32>} : memref<640xf32, #tpu.memory_space<vmem>>, vector<16xf32>,
    %swap3A_81 = vector.shape_cast %swap3A_80 : vector<16xf32> to vector<16xf32>
    %swap3A_82 = vector.shape_cast %broadcast_in_dim3A_78 : vector<16xf32> to vector<16xf32>
    tpu.vector_store %arg6[%swap3A_79], %swap3A_82 {strides = array<i32>} : memref<640xf32, #tpu.memory_space<vmem>>, vector<16xf32>,
    %broadcast_in_dim3A_83 = arith.constant 0.000000e+00 : f32
    %broadcast_in_dim3A_84 = vector.broadcast %broadcast_in_dim3A_83 : f32 to vector<16xf32>
    %swap3A_85 = arith.constant 96 : index
    %swap3A_86 = tpu.vector_load %arg6[%swap3A_85] {strides = array<i32>} : memref<640xf32, #tpu.memory_space<vmem>>, vector<16xf32>,
    %swap3A_87 = vector.shape_cast %swap3A_86 : vector<16xf32> to vector<16xf32>
    %swap3A_88 = vector.shape_cast %broadcast_in_dim3A_84 : vector<16xf32> to vector<16xf32>
    tpu.vector_store %arg6[%swap3A_85], %swap3A_88 {strides = array<i32>} : memref<640xf32, #tpu.memory_space<vmem>>, vector<16xf32>,
    %broadcast_in_dim3A_89 = arith.constant 0.000000e+00 : f32
    %broadcast_in_dim3A_90 = vector.broadcast %broadcast_in_dim3A_89 : f32 to vector<16xf32>
    %swap3A_91 = arith.constant 112 : index
    %swap3A_92 = tpu.vector_load %arg6[%swap3A_91] {strides = array<i32>} : memref<640xf32, #tpu.memory_space<vmem>>, vector<16xf32>,
    %swap3A_93 = vector.shape_cast %swap3A_92 : vector<16xf32> to vector<16xf32>
    %swap3A_94 = vector.shape_cast %broadcast_in_dim3A_90 : vector<16xf32> to vector<16xf32>
    tpu.vector_store %arg6[%swap3A_91], %swap3A_94 {strides = array<i32>} : memref<640xf32, #tpu.memory_space<vmem>>, vector<16xf32>,
    %broadcast_in_dim3A_95 = arith.constant 0.000000e+00 : f32
    %broadcast_in_dim3A_96 = vector.broadcast %broadcast_in_dim3A_95 : f32 to vector<16xf32>
    %swap3A_97 = arith.constant 128 : index
    %swap3A_98 = tpu.vector_load %arg6[%swap3A_97] {strides = array<i32>} : memref<640xf32, #tpu.memory_space<vmem>>, vector<16xf32>,
    %swap3A_99 = vector.shape_cast %swap3A_98 : vector<16xf32> to vector<16xf32>
    %swap3A_100 = vector.shape_cast %broadcast_in_dim3A_96 : vector<16xf32> to vector<16xf32>
    tpu.vector_store %arg6[%swap3A_97], %swap3A_100 {strides = array<i32>} : memref<640xf32, #tpu.memory_space<vmem>>, vector<16xf32>,
    %broadcast_in_dim3A_101 = arith.constant 0.000000e+00 : f32
    %broadcast_in_dim3A_102 = vector.broadcast %broadcast_in_dim3A_101 : f32 to vector<16xf32>
    %swap3A_103 = arith.constant 144 : index
    %swap3A_104 = tpu.vector_load %arg6[%swap3A_103] {strides = array<i32>} : memref<640xf32, #tpu.memory_space<vmem>>, vector<16xf32>,
    %swap3A_105 = vector.shape_cast %swap3A_104 : vector<16xf32> to vector<16xf32>
    %swap3A_106 = vector.shape_cast %broadcast_in_dim3A_102 : vector<16xf32> to vector<16xf32>
    tpu.vector_store %arg6[%swap3A_103], %swap3A_106 {strides = array<i32>} : memref<640xf32, #tpu.memory_space<vmem>>, vector<16xf32>,
    %broadcast_in_dim3A_107 = arith.constant 0.000000e+00 : f32
    %broadcast_in_dim3A_108 = vector.broadcast %broadcast_in_dim3A_107 : f32 to vector<16xf32>
    %swap3A_109 = arith.constant 160 : index
    %swap3A_110 = tpu.vector_load %arg6[%swap3A_109] {strides = array<i32>} : memref<640xf32, #tpu.memory_space<vmem>>, vector<16xf32>,
    %swap3A_111 = vector.shape_cast %swap3A_110 : vector<16xf32> to vector<16xf32>
    %swap3A_112 = vector.shape_cast %broadcast_in_dim3A_108 : vector<16xf32> to vector<16xf32>
    tpu.vector_store %arg6[%swap3A_109], %swap3A_112 {strides = array<i32>} : memref<640xf32, #tpu.memory_space<vmem>>, vector<16xf32>,
    %broadcast_in_dim3A_113 = arith.constant 0.000000e+00 : f32
    %broadcast_in_dim3A_114 = vector.broadcast %broadcast_in_dim3A_113 : f32 to vector<16xf32>
    %swap3A_115 = arith.constant 176 : index
    %swap3A_116 = tpu.vector_load %arg6[%swap3A_115] {strides = array<i32>} : memref<640xf32, #tpu.memory_space<vmem>>, vector<16xf32>,
    %swap3A_117 = vector.shape_cast %swap3A_116 : vector<16xf32> to vector<16xf32>
    %swap3A_118 = vector.shape_cast %broadcast_in_dim3A_114 : vector<16xf32> to vector<16xf32>
    tpu.vector_store %arg6[%swap3A_115], %swap3A_118 {strides = array<i32>} : memref<640xf32, #tpu.memory_space<vmem>>, vector<16xf32>,
    %broadcast_in_dim3A_119 = arith.constant 0.000000e+00 : f32
    %broadcast_in_dim3A_120 = vector.broadcast %broadcast_in_dim3A_119 : f32 to vector<16xf32>
    %swap3A_121 = arith.constant 192 : index
    %swap3A_122 = tpu.vector_load %arg6[%swap3A_121] {strides = array<i32>} : memref<640xf32, #tpu.memory_space<vmem>>, vector<16xf32>,
    %swap3A_123 = vector.shape_cast %swap3A_122 : vector<16xf32> to vector<16xf32>
    %swap3A_124 = vector.shape_cast %broadcast_in_dim3A_120 : vector<16xf32> to vector<16xf32>
    tpu.vector_store %arg6[%swap3A_121], %swap3A_124 {strides = array<i32>} : memref<640xf32, #tpu.memory_space<vmem>>, vector<16xf32>,
    %broadcast_in_dim3A_125 = arith.constant 0.000000e+00 : f32
    %broadcast_in_dim3A_126 = vector.broadcast %broadcast_in_dim3A_125 : f32 to vector<16xf32>
    %swap3A_127 = arith.constant 208 : index
    %swap3A_128 = tpu.vector_load %arg6[%swap3A_127] {strides = array<i32>} : memref<640xf32, #tpu.memory_space<vmem>>, vector<16xf32>,
    %swap3A_129 = vector.shape_cast %swap3A_128 : vector<16xf32> to vector<16xf32>
    %swap3A_130 = vector.shape_cast %broadcast_in_dim3A_126 : vector<16xf32> to vector<16xf32>
    tpu.vector_store %arg6[%swap3A_127], %swap3A_130 {strides = array<i32>} : memref<640xf32, #tpu.memory_space<vmem>>, vector<16xf32>,
    %broadcast_in_dim3A_131 = arith.constant 0.000000e+00 : f32
    %broadcast_in_dim3A_132 = vector.broadcast %broadcast_in_dim3A_131 : f32 to vector<16xf32>
    %swap3A_133 = arith.constant 224 : index
    %swap3A_134 = tpu.vector_load %arg6[%swap3A_133] {strides = array<i32>} : memref<640xf32, #tpu.memory_space<vmem>>, vector<16xf32>,
    %swap3A_135 = vector.shape_cast %swap3A_134 : vector<16xf32> to vector<16xf32>
    %swap3A_136 = vector.shape_cast %broadcast_in_dim3A_132 : vector<16xf32> to vector<16xf32>
    tpu.vector_store %arg6[%swap3A_133], %swap3A_136 {strides = array<i32>} : memref<640xf32, #tpu.memory_space<vmem>>, vector<16xf32>,
    %broadcast_in_dim3A_137 = arith.constant 0.000000e+00 : f32
    %broadcast_in_dim3A_138 = vector.broadcast %broadcast_in_dim3A_137 : f32 to vector<16xf32>
    %swap3A_139 = arith.constant 240 : index
    %swap3A_140 = tpu.vector_load %arg6[%swap3A_139] {strides = array<i32>} : memref<640xf32, #tpu.memory_space<vmem>>, vector<16xf32>,
    %swap3A_141 = vector.shape_cast %swap3A_140 : vector<16xf32> to vector<16xf32>
    %swap3A_142 = vector.shape_cast %broadcast_in_dim3A_138 : vector<16xf32> to vector<16xf32>
    tpu.vector_store %arg6[%swap3A_139], %swap3A_142 {strides = array<i32>} : memref<640xf32, #tpu.memory_space<vmem>>, vector<16xf32>,
    %broadcast_in_dim3A_143 = arith.constant 0.000000e+00 : f32
    %broadcast_in_dim3A_144 = vector.broadcast %broadcast_in_dim3A_143 : f32 to vector<16xf32>
    %swap3A_145 = arith.constant 256 : index
    %swap3A_146 = tpu.vector_load %arg6[%swap3A_145] {strides = array<i32>} : memref<640xf32, #tpu.memory_space<vmem>>, vector<16xf32>,
    %swap3A_147 = vector.shape_cast %swap3A_146 : vector<16xf32> to vector<16xf32>
    %swap3A_148 = vector.shape_cast %broadcast_in_dim3A_144 : vector<16xf32> to vector<16xf32>
    tpu.vector_store %arg6[%swap3A_145], %swap3A_148 {strides = array<i32>} : memref<640xf32, #tpu.memory_space<vmem>>, vector<16xf32>,
    %broadcast_in_dim3A_149 = arith.constant 0.000000e+00 : f32
    %broadcast_in_dim3A_150 = vector.broadcast %broadcast_in_dim3A_149 : f32 to vector<16xf32>
    %swap3A_151 = arith.constant 272 : index
    %swap3A_152 = tpu.vector_load %arg6[%swap3A_151] {strides = array<i32>} : memref<640xf32, #tpu.memory_space<vmem>>, vector<16xf32>,
    %swap3A_153 = vector.shape_cast %swap3A_152 : vector<16xf32> to vector<16xf32>
    %swap3A_154 = vector.shape_cast %broadcast_in_dim3A_150 : vector<16xf32> to vector<16xf32>
    tpu.vector_store %arg6[%swap3A_151], %swap3A_154 {strides = array<i32>} : memref<640xf32, #tpu.memory_space<vmem>>, vector<16xf32>,
    %broadcast_in_dim3A_155 = arith.constant 0.000000e+00 : f32
    %broadcast_in_dim3A_156 = vector.broadcast %broadcast_in_dim3A_155 : f32 to vector<16xf32>
    %swap3A_157 = arith.constant 288 : index
    %swap3A_158 = tpu.vector_load %arg6[%swap3A_157] {strides = array<i32>} : memref<640xf32, #tpu.memory_space<vmem>>, vector<16xf32>,
    %swap3A_159 = vector.shape_cast %swap3A_158 : vector<16xf32> to vector<16xf32>
    %swap3A_160 = vector.shape_cast %broadcast_in_dim3A_156 : vector<16xf32> to vector<16xf32>
    tpu.vector_store %arg6[%swap3A_157], %swap3A_160 {strides = array<i32>} : memref<640xf32, #tpu.memory_space<vmem>>, vector<16xf32>,
    %broadcast_in_dim3A_161 = arith.constant 0.000000e+00 : f32
    %broadcast_in_dim3A_162 = vector.broadcast %broadcast_in_dim3A_161 : f32 to vector<16xf32>
    %swap3A_163 = arith.constant 304 : index
    %swap3A_164 = tpu.vector_load %arg6[%swap3A_163] {strides = array<i32>} : memref<640xf32, #tpu.memory_space<vmem>>, vector<16xf32>,
    %swap3A_165 = vector.shape_cast %swap3A_164 : vector<16xf32> to vector<16xf32>
    %swap3A_166 = vector.shape_cast %broadcast_in_dim3A_162 : vector<16xf32> to vector<16xf32>
    tpu.vector_store %arg6[%swap3A_163], %swap3A_166 {strides = array<i32>} : memref<640xf32, #tpu.memory_space<vmem>>, vector<16xf32>,
    %broadcast_in_dim3A_167 = arith.constant 0.000000e+00 : f32
    %broadcast_in_dim3A_168 = vector.broadcast %broadcast_in_dim3A_167 : f32 to vector<16xf32>
    %swap3A_169 = arith.constant 320 : index
    %swap3A_170 = tpu.vector_load %arg6[%swap3A_169] {strides = array<i32>} : memref<640xf32, #tpu.memory_space<vmem>>, vector<16xf32>,
    %swap3A_171 = vector.shape_cast %swap3A_170 : vector<16xf32> to vector<16xf32>
    %swap3A_172 = vector.shape_cast %broadcast_in_dim3A_168 : vector<16xf32> to vector<16xf32>
    tpu.vector_store %arg6[%swap3A_169], %swap3A_172 {strides = array<i32>} : memref<640xf32, #tpu.memory_space<vmem>>, vector<16xf32>,
    %broadcast_in_dim3A_173 = arith.constant 0.000000e+00 : f32
    %broadcast_in_dim3A_174 = vector.broadcast %broadcast_in_dim3A_173 : f32 to vector<16xf32>
    %swap3A_175 = arith.constant 336 : index
    %swap3A_176 = tpu.vector_load %arg6[%swap3A_175] {strides = array<i32>} : memref<640xf32, #tpu.memory_space<vmem>>, vector<16xf32>,
    %swap3A_177 = vector.shape_cast %swap3A_176 : vector<16xf32> to vector<16xf32>
    %swap3A_178 = vector.shape_cast %broadcast_in_dim3A_174 : vector<16xf32> to vector<16xf32>
    tpu.vector_store %arg6[%swap3A_175], %swap3A_178 {strides = array<i32>} : memref<640xf32, #tpu.memory_space<vmem>>, vector<16xf32>,
    %broadcast_in_dim3A_179 = arith.constant 0.000000e+00 : f32
    %broadcast_in_dim3A_180 = vector.broadcast %broadcast_in_dim3A_179 : f32 to vector<16xf32>
    %swap3A_181 = arith.constant 352 : index
    %swap3A_182 = tpu.vector_load %arg6[%swap3A_181] {strides = array<i32>} : memref<640xf32, #tpu.memory_space<vmem>>, vector<16xf32>,
    %swap3A_183 = vector.shape_cast %swap3A_182 : vector<16xf32> to vector<16xf32>
    %swap3A_184 = vector.shape_cast %broadcast_in_dim3A_180 : vector<16xf32> to vector<16xf32>
    tpu.vector_store %arg6[%swap3A_181], %swap3A_184 {strides = array<i32>} : memref<640xf32, #tpu.memory_space<vmem>>, vector<16xf32>,
    %broadcast_in_dim3A_185 = arith.constant 0.000000e+00 : f32
    %broadcast_in_dim3A_186 = vector.broadcast %broadcast_in_dim3A_185 : f32 to vector<16xf32>
    %swap3A_187 = arith.constant 368 : index
    %swap3A_188 = tpu.vector_load %arg6[%swap3A_187] {strides = array<i32>} : memref<640xf32, #tpu.memory_space<vmem>>, vector<16xf32>,
    %swap3A_189 = vector.shape_cast %swap3A_188 : vector<16xf32> to vector<16xf32>
    %swap3A_190 = vector.shape_cast %broadcast_in_dim3A_186 : vector<16xf32> to vector<16xf32>
    tpu.vector_store %arg6[%swap3A_187], %swap3A_190 {strides = array<i32>} : memref<640xf32, #tpu.memory_space<vmem>>, vector<16xf32>,
    %broadcast_in_dim3A_191 = arith.constant 0.000000e+00 : f32
    %broadcast_in_dim3A_192 = vector.broadcast %broadcast_in_dim3A_191 : f32 to vector<16xf32>
    %swap3A_193 = arith.constant 384 : index
    %swap3A_194 = tpu.vector_load %arg6[%swap3A_193] {strides = array<i32>} : memref<640xf32, #tpu.memory_space<vmem>>, vector<16xf32>,
    %swap3A_195 = vector.shape_cast %swap3A_194 : vector<16xf32> to vector<16xf32>
    %swap3A_196 = vector.shape_cast %broadcast_in_dim3A_192 : vector<16xf32> to vector<16xf32>
    tpu.vector_store %arg6[%swap3A_193], %swap3A_196 {strides = array<i32>} : memref<640xf32, #tpu.memory_space<vmem>>, vector<16xf32>,
    %broadcast_in_dim3A_197 = arith.constant 0.000000e+00 : f32
    %broadcast_in_dim3A_198 = vector.broadcast %broadcast_in_dim3A_197 : f32 to vector<16xf32>
    %swap3A_199 = arith.constant 400 : index
    %swap3A_200 = tpu.vector_load %arg6[%swap3A_199] {strides = array<i32>} : memref<640xf32, #tpu.memory_space<vmem>>, vector<16xf32>,
    %swap3A_201 = vector.shape_cast %swap3A_200 : vector<16xf32> to vector<16xf32>
    %swap3A_202 = vector.shape_cast %broadcast_in_dim3A_198 : vector<16xf32> to vector<16xf32>
    tpu.vector_store %arg6[%swap3A_199], %swap3A_202 {strides = array<i32>} : memref<640xf32, #tpu.memory_space<vmem>>, vector<16xf32>,
    %broadcast_in_dim3A_203 = arith.constant 0.000000e+00 : f32
    %broadcast_in_dim3A_204 = vector.broadcast %broadcast_in_dim3A_203 : f32 to vector<16xf32>
    %swap3A_205 = arith.constant 416 : index
    %swap3A_206 = tpu.vector_load %arg6[%swap3A_205] {strides = array<i32>} : memref<640xf32, #tpu.memory_space<vmem>>, vector<16xf32>,
    %swap3A_207 = vector.shape_cast %swap3A_206 : vector<16xf32> to vector<16xf32>
    %swap3A_208 = vector.shape_cast %broadcast_in_dim3A_204 : vector<16xf32> to vector<16xf32>
    tpu.vector_store %arg6[%swap3A_205], %swap3A_208 {strides = array<i32>} : memref<640xf32, #tpu.memory_space<vmem>>, vector<16xf32>,
    %broadcast_in_dim3A_209 = arith.constant 0.000000e+00 : f32
    %broadcast_in_dim3A_210 = vector.broadcast %broadcast_in_dim3A_209 : f32 to vector<16xf32>
    %swap3A_211 = arith.constant 432 : index
    %swap3A_212 = tpu.vector_load %arg6[%swap3A_211] {strides = array<i32>} : memref<640xf32, #tpu.memory_space<vmem>>, vector<16xf32>,
    %swap3A_213 = vector.shape_cast %swap3A_212 : vector<16xf32> to vector<16xf32>
    %swap3A_214 = vector.shape_cast %broadcast_in_dim3A_210 : vector<16xf32> to vector<16xf32>
    tpu.vector_store %arg6[%swap3A_211], %swap3A_214 {strides = array<i32>} : memref<640xf32, #tpu.memory_space<vmem>>, vector<16xf32>,
    %broadcast_in_dim3A_215 = arith.constant 0.000000e+00 : f32
    %broadcast_in_dim3A_216 = vector.broadcast %broadcast_in_dim3A_215 : f32 to vector<16xf32>
    %swap3A_217 = arith.constant 448 : index
    %swap3A_218 = tpu.vector_load %arg6[%swap3A_217] {strides = array<i32>} : memref<640xf32, #tpu.memory_space<vmem>>, vector<16xf32>,
    %swap3A_219 = vector.shape_cast %swap3A_218 : vector<16xf32> to vector<16xf32>
    %swap3A_220 = vector.shape_cast %broadcast_in_dim3A_216 : vector<16xf32> to vector<16xf32>
    tpu.vector_store %arg6[%swap3A_217], %swap3A_220 {strides = array<i32>} : memref<640xf32, #tpu.memory_space<vmem>>, vector<16xf32>,
    %broadcast_in_dim3A_221 = arith.constant 0.000000e+00 : f32
    %broadcast_in_dim3A_222 = vector.broadcast %broadcast_in_dim3A_221 : f32 to vector<16xf32>
    %swap3A_223 = arith.constant 464 : index
    %swap3A_224 = tpu.vector_load %arg6[%swap3A_223] {strides = array<i32>} : memref<640xf32, #tpu.memory_space<vmem>>, vector<16xf32>,
    %swap3A_225 = vector.shape_cast %swap3A_224 : vector<16xf32> to vector<16xf32>
    %swap3A_226 = vector.shape_cast %broadcast_in_dim3A_222 : vector<16xf32> to vector<16xf32>
    tpu.vector_store %arg6[%swap3A_223], %swap3A_226 {strides = array<i32>} : memref<640xf32, #tpu.memory_space<vmem>>, vector<16xf32>,
    %broadcast_in_dim3A_227 = arith.constant 0.000000e+00 : f32
    %broadcast_in_dim3A_228 = vector.broadcast %broadcast_in_dim3A_227 : f32 to vector<16xf32>
    %swap3A_229 = arith.constant 480 : index
    %swap3A_230 = tpu.vector_load %arg6[%swap3A_229] {strides = array<i32>} : memref<640xf32, #tpu.memory_space<vmem>>, vector<16xf32>,
    %swap3A_231 = vector.shape_cast %swap3A_230 : vector<16xf32> to vector<16xf32>
    %swap3A_232 = vector.shape_cast %broadcast_in_dim3A_228 : vector<16xf32> to vector<16xf32>
    tpu.vector_store %arg6[%swap3A_229], %swap3A_232 {strides = array<i32>} : memref<640xf32, #tpu.memory_space<vmem>>, vector<16xf32>,
    %broadcast_in_dim3A_233 = arith.constant 0.000000e+00 : f32
    %broadcast_in_dim3A_234 = vector.broadcast %broadcast_in_dim3A_233 : f32 to vector<16xf32>
    %swap3A_235 = arith.constant 496 : index
    %swap3A_236 = tpu.vector_load %arg6[%swap3A_235] {strides = array<i32>} : memref<640xf32, #tpu.memory_space<vmem>>, vector<16xf32>,
    %swap3A_237 = vector.shape_cast %swap3A_236 : vector<16xf32> to vector<16xf32>
    %swap3A_238 = vector.shape_cast %broadcast_in_dim3A_234 : vector<16xf32> to vector<16xf32>
    tpu.vector_store %arg6[%swap3A_235], %swap3A_238 {strides = array<i32>} : memref<640xf32, #tpu.memory_space<vmem>>, vector<16xf32>,
    %broadcast_in_dim3A_239 = arith.constant 0.000000e+00 : f32
    %broadcast_in_dim3A_240 = vector.broadcast %broadcast_in_dim3A_239 : f32 to vector<16xf32>
    %swap3A_241 = arith.constant 512 : index
    %swap3A_242 = tpu.vector_load %arg6[%swap3A_241] {strides = array<i32>} : memref<640xf32, #tpu.memory_space<vmem>>, vector<16xf32>,
    %swap3A_243 = vector.shape_cast %swap3A_242 : vector<16xf32> to vector<16xf32>
    %swap3A_244 = vector.shape_cast %broadcast_in_dim3A_240 : vector<16xf32> to vector<16xf32>
    tpu.vector_store %arg6[%swap3A_241], %swap3A_244 {strides = array<i32>} : memref<640xf32, #tpu.memory_space<vmem>>, vector<16xf32>,
    %broadcast_in_dim3A_245 = arith.constant 0.000000e+00 : f32
    %broadcast_in_dim3A_246 = vector.broadcast %broadcast_in_dim3A_245 : f32 to vector<16xf32>
    %swap3A_247 = arith.constant 528 : index
    %swap3A_248 = tpu.vector_load %arg6[%swap3A_247] {strides = array<i32>} : memref<640xf32, #tpu.memory_space<vmem>>, vector<16xf32>,
    %swap3A_249 = vector.shape_cast %swap3A_248 : vector<16xf32> to vector<16xf32>
    %swap3A_250 = vector.shape_cast %broadcast_in_dim3A_246 : vector<16xf32> to vector<16xf32>
    tpu.vector_store %arg6[%swap3A_247], %swap3A_250 {strides = array<i32>} : memref<640xf32, #tpu.memory_space<vmem>>, vector<16xf32>,
    %broadcast_in_dim3A_251 = arith.constant 0.000000e+00 : f32
    %broadcast_in_dim3A_252 = vector.broadcast %broadcast_in_dim3A_251 : f32 to vector<16xf32>
    %swap3A_253 = arith.constant 544 : index
    %swap3A_254 = tpu.vector_load %arg6[%swap3A_253] {strides = array<i32>} : memref<640xf32, #tpu.memory_space<vmem>>, vector<16xf32>,
    %swap3A_255 = vector.shape_cast %swap3A_254 : vector<16xf32> to vector<16xf32>
    %swap3A_256 = vector.shape_cast %broadcast_in_dim3A_252 : vector<16xf32> to vector<16xf32>
    tpu.vector_store %arg6[%swap3A_253], %swap3A_256 {strides = array<i32>} : memref<640xf32, #tpu.memory_space<vmem>>, vector<16xf32>,
    %broadcast_in_dim3A_257 = arith.constant 0.000000e+00 : f32
    %broadcast_in_dim3A_258 = vector.broadcast %broadcast_in_dim3A_257 : f32 to vector<16xf32>
    %swap3A_259 = arith.constant 560 : index
    %swap3A_260 = tpu.vector_load %arg6[%swap3A_259] {strides = array<i32>} : memref<640xf32, #tpu.memory_space<vmem>>, vector<16xf32>,
    %swap3A_261 = vector.shape_cast %swap3A_260 : vector<16xf32> to vector<16xf32>
    %swap3A_262 = vector.shape_cast %broadcast_in_dim3A_258 : vector<16xf32> to vector<16xf32>
    tpu.vector_store %arg6[%swap3A_259], %swap3A_262 {strides = array<i32>} : memref<640xf32, #tpu.memory_space<vmem>>, vector<16xf32>,
    %broadcast_in_dim3A_263 = arith.constant 0.000000e+00 : f32
    %broadcast_in_dim3A_264 = vector.broadcast %broadcast_in_dim3A_263 : f32 to vector<16xf32>
    %swap3A_265 = arith.constant 576 : index
    %swap3A_266 = tpu.vector_load %arg6[%swap3A_265] {strides = array<i32>} : memref<640xf32, #tpu.memory_space<vmem>>, vector<16xf32>,
    %swap3A_267 = vector.shape_cast %swap3A_266 : vector<16xf32> to vector<16xf32>
    %swap3A_268 = vector.shape_cast %broadcast_in_dim3A_264 : vector<16xf32> to vector<16xf32>
    tpu.vector_store %arg6[%swap3A_265], %swap3A_268 {strides = array<i32>} : memref<640xf32, #tpu.memory_space<vmem>>, vector<16xf32>,
    %broadcast_in_dim3A_269 = arith.constant 0.000000e+00 : f32
    %broadcast_in_dim3A_270 = vector.broadcast %broadcast_in_dim3A_269 : f32 to vector<16xf32>
    %swap3A_271 = arith.constant 592 : index
    %swap3A_272 = tpu.vector_load %arg6[%swap3A_271] {strides = array<i32>} : memref<640xf32, #tpu.memory_space<vmem>>, vector<16xf32>,
    %swap3A_273 = vector.shape_cast %swap3A_272 : vector<16xf32> to vector<16xf32>
    %swap3A_274 = vector.shape_cast %broadcast_in_dim3A_270 : vector<16xf32> to vector<16xf32>
    tpu.vector_store %arg6[%swap3A_271], %swap3A_274 {strides = array<i32>} : memref<640xf32, #tpu.memory_space<vmem>>, vector<16xf32>,
    %broadcast_in_dim3A_275 = arith.constant 0.000000e+00 : f32
    %broadcast_in_dim3A_276 = vector.broadcast %broadcast_in_dim3A_275 : f32 to vector<16xf32>
    %swap3A_277 = arith.constant 608 : index
    %swap3A_278 = tpu.vector_load %arg6[%swap3A_277] {strides = array<i32>} : memref<640xf32, #tpu.memory_space<vmem>>, vector<16xf32>,
    %swap3A_279 = vector.shape_cast %swap3A_278 : vector<16xf32> to vector<16xf32>
    %swap3A_280 = vector.shape_cast %broadcast_in_dim3A_276 : vector<16xf32> to vector<16xf32>
    tpu.vector_store %arg6[%swap3A_277], %swap3A_280 {strides = array<i32>} : memref<640xf32, #tpu.memory_space<vmem>>, vector<16xf32>,
    %broadcast_in_dim3A_281 = arith.constant 0.000000e+00 : f32
    %broadcast_in_dim3A_282 = vector.broadcast %broadcast_in_dim3A_281 : f32 to vector<16xf32>
    %swap3A_283 = arith.constant 624 : index
    %swap3A_284 = tpu.vector_load %arg6[%swap3A_283] {strides = array<i32>} : memref<640xf32, #tpu.memory_space<vmem>>, vector<16xf32>,
    %swap3A_285 = vector.shape_cast %swap3A_284 : vector<16xf32> to vector<16xf32>
    %swap3A_286 = vector.shape_cast %broadcast_in_dim3A_282 : vector<16xf32> to vector<16xf32>
    tpu.vector_store %arg6[%swap3A_283], %swap3A_286 {strides = array<i32>} : memref<640xf32, #tpu.memory_space<vmem>>, vector<16xf32>,
    %mul3A_287 = arith.constant 640 : i32
    %mul3A_288 = arith.muli %arg1, %mul3A_287 : i32
    "tpu.region"() ({
      %run_scoped3A = tpu.sem_alloc : memref<!tpu.dma_semaphore, #tpu.memory_space<semaphore_mem>>
      %dma_start3A = tpu.memref_slice %arg7[%mul3A_288] : memref<10240xf32, #tpu.memory_space<vmem_shared>> -> memref<640xf32, #tpu.memory_space<vmem_shared>>
      %dma_start3A_299 = tpu.memref_slice %arg7[%mul3A_288] : memref<10240xf32, #tpu.memory_space<vmem_shared>> -> memref<640xf32, #tpu.memory_space<vmem_shared>>
      tpu.enqueue_dma source(%arg6 : memref<640xf32, #tpu.memory_space<vmem>>) target(%dma_start3A_299 : memref<640xf32, #tpu.memory_space<vmem_shared>>) target_semaphore(%run_scoped3A : memref<!tpu.dma_semaphore, #tpu.memory_space<semaphore_mem>>)
      %dma_wait3A = tpu.memref_slice %arg7[%mul3A_288] : memref<10240xf32, #tpu.memory_space<vmem_shared>> -> memref<640xf32, #tpu.memory_space<vmem_shared>>
      %dma_wait3A_300 = tpu.memref_slice %arg7[%mul3A_288] : memref<10240xf32, #tpu.memory_space<vmem_shared>> -> memref<640xf32, #tpu.memory_space<vmem_shared>>
      tpu.wait_dma2 semaphore(%run_scoped3A : memref<!tpu.dma_semaphore, #tpu.memory_space<semaphore_mem>>) src(%arg6 : memref<640xf32, #tpu.memory_space<vmem>>) dst(%dma_wait3A_300 : memref<640xf32, #tpu.memory_space<vmem_shared>>)
      tpu.yield
    }) : () -> ()
    %barrier3A = arith.constant 0 : index
    tpu.barrier barrier_id(%barrier3A)
    %scan3A = arith.constant 0 : i32
    %scan3A_289 = arith.constant 0 : i32
    %scan3A_290 = arith.constant 80 : i32
    %scan3A_291 = arith.addi %scan3A_289, %scan3A_290 : i32
    %scan3A_292 = arith.constant 1 : i32
    scf.for %scan3A_299 = %scan3A_289 to %scan3A_291 step %scan3A_292  : i32 {
      "tpu.region"() ({
        %run_scoped3A = tpu.sem_alloc : memref<!tpu.dma_semaphore, #tpu.memory_space<semaphore_mem>>
        %dma_start3A = arith.constant 0 : i32
        %dma_start3A_300 = tpu.memref_slice %arg4[%scan3A_299, %dma_start3A] : memref<80x128xi32, #tpu.memory_space<vmem>> -> memref<1x128xi32, #tpu.memory_space<vmem>>
        %dma_start3A_301 = tpu.memref_squeeze %dma_start3A_300 : memref<1x128xi32, #tpu.memory_space<vmem>> -> memref<128xi32, #tpu.memory_space<vmem>>
        %dma_start3A_302 = arith.constant 0 : i32
        %dma_start3A_303 = tpu.memref_slice %arg7[%dma_start3A_302] : memref<10240xf32, #tpu.memory_space<vmem_shared>> -> memref<10240xf32, #tpu.memory_space<vmem_shared>>
        tpu.enqueue_indirect_dma source(%arg5 : memref<128xf32, #tpu.memory_space<vmem>>) target(%dma_start3A_303 : memref<10240xf32, #tpu.memory_space<vmem_shared>>) offsets(%dma_start3A_301 : memref<128xi32, #tpu.memory_space<vmem>>) semaphore(%run_scoped3A : memref<!tpu.dma_semaphore, #tpu.memory_space<semaphore_mem>>) {add = true}
        %dma_wait3A = arith.constant 0 : i32
        %dma_wait3A_304 = tpu.memref_slice %arg4[%scan3A_299, %dma_wait3A] : memref<80x128xi32, #tpu.memory_space<vmem>> -> memref<1x128xi32, #tpu.memory_space<vmem>>
        %dma_wait3A_305 = tpu.memref_squeeze %dma_wait3A_304 : memref<1x128xi32, #tpu.memory_space<vmem>> -> memref<128xi32, #tpu.memory_space<vmem>>
        %dma_wait3A_306 = arith.constant 0 : i32
        %dma_wait3A_307 = tpu.memref_slice %arg7[%dma_wait3A_306] : memref<10240xf32, #tpu.memory_space<vmem_shared>> -> memref<10240xf32, #tpu.memory_space<vmem_shared>>
        tpu.wait_indirect_dma semaphore(%run_scoped3A : memref<!tpu.dma_semaphore, #tpu.memory_space<semaphore_mem>>) src(%arg5 : memref<128xf32, #tpu.memory_space<vmem>>) dst(%dma_wait3A_307 : memref<10240xf32, #tpu.memory_space<vmem_shared>>)
        tpu.yield
      }) : () -> ()
    }
    %scan3A_293 = arith.constant 80 : i32
    %barrier3A_294 = arith.constant 0 : index
    tpu.barrier barrier_id(%barrier3A_294)
    %mul3A_295 = arith.constant 640 : i32
    %mul3A_296 = arith.muli %arg1, %mul3A_295 : i32
    %mul3A_297 = arith.constant 640 : i32
    %mul3A_298 = arith.muli %arg1, %mul3A_297 : i32
    "tpu.region"() ({
      %run_scoped3A = tpu.sem_alloc : memref<!tpu.dma_semaphore, #tpu.memory_space<semaphore_mem>>
      %dma_start3A = tpu.memref_slice %arg3[%arg0, %mul3A_298] : memref<2x10240xf32, #tpu.memory_space<hbm>> -> memref<1x640xf32, #tpu.memory_space<hbm>>
      %dma_start3A_299 = tpu.memref_squeeze %dma_start3A : memref<1x640xf32, #tpu.memory_space<hbm>> -> memref<640xf32, #tpu.memory_space<hbm>>
      %dma_start3A_300 = tpu.memref_slice %arg7[%mul3A_296] : memref<10240xf32, #tpu.memory_space<vmem_shared>> -> memref<640xf32, #tpu.memory_space<vmem_shared>>
      tpu.enqueue_dma source(%dma_start3A_300 : memref<640xf32, #tpu.memory_space<vmem_shared>>) target(%dma_start3A_299 : memref<640xf32, #tpu.memory_space<hbm>>) target_semaphore(%run_scoped3A : memref<!tpu.dma_semaphore, #tpu.memory_space<semaphore_mem>>)
      %dma_wait3A = tpu.memref_slice %arg3[%arg0, %mul3A_298] : memref<2x10240xf32, #tpu.memory_space<hbm>> -> memref<1x640xf32, #tpu.memory_space<hbm>>
      %dma_wait3A_301 = tpu.memref_squeeze %dma_wait3A : memref<1x640xf32, #tpu.memory_space<hbm>> -> memref<640xf32, #tpu.memory_space<hbm>>
      %dma_wait3A_302 = tpu.memref_slice %arg7[%mul3A_296] : memref<10240xf32, #tpu.memory_space<vmem_shared>> -> memref<640xf32, #tpu.memory_space<vmem_shared>>
      tpu.wait_dma2 semaphore(%run_scoped3A : memref<!tpu.dma_semaphore, #tpu.memory_space<semaphore_mem>>) src(%dma_wait3A_302 : memref<640xf32, #tpu.memory_space<vmem_shared>>) dst(%dma_wait3A_301 : memref<640xf32, #tpu.memory_space<hbm>>)
      tpu.yield
    }) : () -> ()
    return
  }
}

#map = affine_map<(d0, d1) -> (0, 0)>
#map1 = affine_map<(d0, d1) -> (0, 0, 0)>
module attributes {stable_mosaic.version = 14 : i64} {
  func.func @_sc_msg(%arg0: i32, %arg1: i32, %arg2: memref<10112x128xf32, #tpu.memory_space<hbm>>, %arg3: memref<32x80x128xi32, #tpu.memory_space<hbm>>, %arg4: memref<32x80x128xi32, #tpu.memory_space<hbm>>, %arg5: memref<128x128xf32, #tpu.memory_space<hbm>>, %arg6: memref<2x10112x128xf32, #tpu.memory_space<hbm>>, %arg7: memref<40x128xi32, #tpu.memory_space<vmem>>, %arg8: memref<40x128xi32, #tpu.memory_space<vmem>>, %arg9: memref<128x128xf32, #tpu.memory_space<vmem>>, %arg10: memref<128x128xf32, #tpu.memory_space<vmem>>, %arg11: memref<10112x128xf32, #tpu.memory_space<vmem_shared>>, %arg12: memref<!tpu.dma_semaphore, #tpu.memory_space<semaphore_mem>>, %arg13: memref<!tpu.dma_semaphore, #tpu.memory_space<semaphore_mem>>, %arg14: memref<!tpu.dma_semaphore, #tpu.memory_space<semaphore_mem>>, %arg15: memref<!tpu.dma_semaphore, #tpu.memory_space<semaphore_mem>>) attributes {dimension_semantics = [#tpu.dimension_semantics<core_parallel>, #tpu.dimension_semantics<subcore_parallel>], iteration_bounds = array<i64: 2, 16>, scalar_prefetch = 0 : i64, scratch_operands = 9 : i64, tpu.core_type = #tpu.core_type<sc_vector_subcore>, window_params = [{transform_indices = #map}, {transform_indices = #map1}, {transform_indices = #map1}, {transform_indices = #map}, {transform_indices = #map1}]} {
    %mul3A = arith.constant 16 : i32
    %mul3A_0 = arith.muli %arg0, %mul3A : i32
    %add3A = arith.addi %mul3A_0, %arg1 : i32
    %mul3A_1 = arith.constant 632 : i32
    %mul3A_2 = arith.muli %arg1, %mul3A_1 : i32
    "tpu.region"() ({
      %run_scoped3A = tpu.sem_alloc : memref<!tpu.dma_semaphore, #tpu.memory_space<semaphore_mem>>
      tpu.enqueue_dma source(%arg5 : memref<128x128xf32, #tpu.memory_space<hbm>>) target(%arg9 : memref<128x128xf32, #tpu.memory_space<vmem>>) target_semaphore(%run_scoped3A : memref<!tpu.dma_semaphore, #tpu.memory_space<semaphore_mem>>)
      tpu.wait_dma2 semaphore(%run_scoped3A : memref<!tpu.dma_semaphore, #tpu.memory_space<semaphore_mem>>) src(%arg5 : memref<128x128xf32, #tpu.memory_space<hbm>>) dst(%arg9 : memref<128x128xf32, #tpu.memory_space<vmem>>)
      tpu.yield
    }) : () -> ()
    %add3A_3 = arith.constant 0 : i32
    %add3A_4 = arith.addi %mul3A_2, %add3A_3 : i32
    "tpu.region"() ({
      %run_scoped3A = tpu.sem_alloc : memref<!tpu.dma_semaphore, #tpu.memory_space<semaphore_mem>>
      %dma_start3A_75 = arith.constant 0 : i32
      %dma_start3A_76 = arith.constant 0 : i32
      %dma_start3A_77 = tpu.memref_slice %arg9[%dma_start3A_75, %dma_start3A_76] : memref<128x128xf32, #tpu.memory_space<vmem>> -> memref<128x128xf32, #tpu.memory_space<vmem>>
      %dma_start3A_78 = arith.constant 0 : i32
      %dma_start3A_79 = tpu.memref_slice %arg11[%add3A_4, %dma_start3A_78] : memref<10112x128xf32, #tpu.memory_space<vmem_shared>> -> memref<128x128xf32, #tpu.memory_space<vmem_shared>>
      %dma_start3A_80 = arith.constant 0 : i32
      %dma_start3A_81 = tpu.memref_slice %arg11[%add3A_4, %dma_start3A_80] : memref<10112x128xf32, #tpu.memory_space<vmem_shared>> -> memref<128x128xf32, #tpu.memory_space<vmem_shared>>
      %dma_start3A_82 = arith.constant 0 : i32
      %dma_start3A_83 = arith.constant 0 : i32
      %dma_start3A_84 = tpu.memref_slice %arg9[%dma_start3A_82, %dma_start3A_83] : memref<128x128xf32, #tpu.memory_space<vmem>> -> memref<128x128xf32, #tpu.memory_space<vmem>>
      tpu.enqueue_dma source(%dma_start3A_84 : memref<128x128xf32, #tpu.memory_space<vmem>>) target(%dma_start3A_81 : memref<128x128xf32, #tpu.memory_space<vmem_shared>>) target_semaphore(%run_scoped3A : memref<!tpu.dma_semaphore, #tpu.memory_space<semaphore_mem>>)
      %dma_wait3A_85 = arith.constant 0 : i32
      %dma_wait3A_86 = arith.constant 0 : i32
      %dma_wait3A_87 = tpu.memref_slice %arg9[%dma_wait3A_85, %dma_wait3A_86] : memref<128x128xf32, #tpu.memory_space<vmem>> -> memref<128x128xf32, #tpu.memory_space<vmem>>
      %dma_wait3A_88 = arith.constant 0 : i32
      %dma_wait3A_89 = tpu.memref_slice %arg11[%add3A_4, %dma_wait3A_88] : memref<10112x128xf32, #tpu.memory_space<vmem_shared>> -> memref<128x128xf32, #tpu.memory_space<vmem_shared>>
      %dma_wait3A_90 = arith.constant 0 : i32
      %dma_wait3A_91 = tpu.memref_slice %arg11[%add3A_4, %dma_wait3A_90] : memref<10112x128xf32, #tpu.memory_space<vmem_shared>> -> memref<128x128xf32, #tpu.memory_space<vmem_shared>>
      %dma_wait3A_92 = arith.constant 0 : i32
      %dma_wait3A_93 = arith.constant 0 : i32
      %dma_wait3A_94 = tpu.memref_slice %arg9[%dma_wait3A_92, %dma_wait3A_93] : memref<128x128xf32, #tpu.memory_space<vmem>> -> memref<128x128xf32, #tpu.memory_space<vmem>>
      tpu.wait_dma2 semaphore(%run_scoped3A : memref<!tpu.dma_semaphore, #tpu.memory_space<semaphore_mem>>) src(%dma_wait3A_94 : memref<128x128xf32, #tpu.memory_space<vmem>>) dst(%dma_wait3A_91 : memref<128x128xf32, #tpu.memory_space<vmem_shared>>)
      tpu.yield
    }) : () -> ()
    %add3A_5 = arith.constant 128 : i32
    %add3A_6 = arith.addi %mul3A_2, %add3A_5 : i32
    "tpu.region"() ({
      %run_scoped3A = tpu.sem_alloc : memref<!tpu.dma_semaphore, #tpu.memory_space<semaphore_mem>>
      %dma_start3A_75 = arith.constant 0 : i32
      %dma_start3A_76 = arith.constant 0 : i32
      %dma_start3A_77 = tpu.memref_slice %arg9[%dma_start3A_75, %dma_start3A_76] : memref<128x128xf32, #tpu.memory_space<vmem>> -> memref<128x128xf32, #tpu.memory_space<vmem>>
      %dma_start3A_78 = arith.constant 0 : i32
      %dma_start3A_79 = tpu.memref_slice %arg11[%add3A_6, %dma_start3A_78] : memref<10112x128xf32, #tpu.memory_space<vmem_shared>> -> memref<128x128xf32, #tpu.memory_space<vmem_shared>>
      %dma_start3A_80 = arith.constant 0 : i32
      %dma_start3A_81 = tpu.memref_slice %arg11[%add3A_6, %dma_start3A_80] : memref<10112x128xf32, #tpu.memory_space<vmem_shared>> -> memref<128x128xf32, #tpu.memory_space<vmem_shared>>
      %dma_start3A_82 = arith.constant 0 : i32
      %dma_start3A_83 = arith.constant 0 : i32
      %dma_start3A_84 = tpu.memref_slice %arg9[%dma_start3A_82, %dma_start3A_83] : memref<128x128xf32, #tpu.memory_space<vmem>> -> memref<128x128xf32, #tpu.memory_space<vmem>>
      tpu.enqueue_dma source(%dma_start3A_84 : memref<128x128xf32, #tpu.memory_space<vmem>>) target(%dma_start3A_81 : memref<128x128xf32, #tpu.memory_space<vmem_shared>>) target_semaphore(%run_scoped3A : memref<!tpu.dma_semaphore, #tpu.memory_space<semaphore_mem>>)
      %dma_wait3A_85 = arith.constant 0 : i32
      %dma_wait3A_86 = arith.constant 0 : i32
      %dma_wait3A_87 = tpu.memref_slice %arg9[%dma_wait3A_85, %dma_wait3A_86] : memref<128x128xf32, #tpu.memory_space<vmem>> -> memref<128x128xf32, #tpu.memory_space<vmem>>
      %dma_wait3A_88 = arith.constant 0 : i32
      %dma_wait3A_89 = tpu.memref_slice %arg11[%add3A_6, %dma_wait3A_88] : memref<10112x128xf32, #tpu.memory_space<vmem_shared>> -> memref<128x128xf32, #tpu.memory_space<vmem_shared>>
      %dma_wait3A_90 = arith.constant 0 : i32
      %dma_wait3A_91 = tpu.memref_slice %arg11[%add3A_6, %dma_wait3A_90] : memref<10112x128xf32, #tpu.memory_space<vmem_shared>> -> memref<128x128xf32, #tpu.memory_space<vmem_shared>>
      %dma_wait3A_92 = arith.constant 0 : i32
      %dma_wait3A_93 = arith.constant 0 : i32
      %dma_wait3A_94 = tpu.memref_slice %arg9[%dma_wait3A_92, %dma_wait3A_93] : memref<128x128xf32, #tpu.memory_space<vmem>> -> memref<128x128xf32, #tpu.memory_space<vmem>>
      tpu.wait_dma2 semaphore(%run_scoped3A : memref<!tpu.dma_semaphore, #tpu.memory_space<semaphore_mem>>) src(%dma_wait3A_94 : memref<128x128xf32, #tpu.memory_space<vmem>>) dst(%dma_wait3A_91 : memref<128x128xf32, #tpu.memory_space<vmem_shared>>)
      tpu.yield
    }) : () -> ()
    %add3A_7 = arith.constant 256 : i32
    %add3A_8 = arith.addi %mul3A_2, %add3A_7 : i32
    "tpu.region"() ({
      %run_scoped3A = tpu.sem_alloc : memref<!tpu.dma_semaphore, #tpu.memory_space<semaphore_mem>>
      %dma_start3A_75 = arith.constant 0 : i32
      %dma_start3A_76 = arith.constant 0 : i32
      %dma_start3A_77 = tpu.memref_slice %arg9[%dma_start3A_75, %dma_start3A_76] : memref<128x128xf32, #tpu.memory_space<vmem>> -> memref<128x128xf32, #tpu.memory_space<vmem>>
      %dma_start3A_78 = arith.constant 0 : i32
      %dma_start3A_79 = tpu.memref_slice %arg11[%add3A_8, %dma_start3A_78] : memref<10112x128xf32, #tpu.memory_space<vmem_shared>> -> memref<128x128xf32, #tpu.memory_space<vmem_shared>>
      %dma_start3A_80 = arith.constant 0 : i32
      %dma_start3A_81 = tpu.memref_slice %arg11[%add3A_8, %dma_start3A_80] : memref<10112x128xf32, #tpu.memory_space<vmem_shared>> -> memref<128x128xf32, #tpu.memory_space<vmem_shared>>
      %dma_start3A_82 = arith.constant 0 : i32
      %dma_start3A_83 = arith.constant 0 : i32
      %dma_start3A_84 = tpu.memref_slice %arg9[%dma_start3A_82, %dma_start3A_83] : memref<128x128xf32, #tpu.memory_space<vmem>> -> memref<128x128xf32, #tpu.memory_space<vmem>>
      tpu.enqueue_dma source(%dma_start3A_84 : memref<128x128xf32, #tpu.memory_space<vmem>>) target(%dma_start3A_81 : memref<128x128xf32, #tpu.memory_space<vmem_shared>>) target_semaphore(%run_scoped3A : memref<!tpu.dma_semaphore, #tpu.memory_space<semaphore_mem>>)
      %dma_wait3A_85 = arith.constant 0 : i32
      %dma_wait3A_86 = arith.constant 0 : i32
      %dma_wait3A_87 = tpu.memref_slice %arg9[%dma_wait3A_85, %dma_wait3A_86] : memref<128x128xf32, #tpu.memory_space<vmem>> -> memref<128x128xf32, #tpu.memory_space<vmem>>
      %dma_wait3A_88 = arith.constant 0 : i32
      %dma_wait3A_89 = tpu.memref_slice %arg11[%add3A_8, %dma_wait3A_88] : memref<10112x128xf32, #tpu.memory_space<vmem_shared>> -> memref<128x128xf32, #tpu.memory_space<vmem_shared>>
      %dma_wait3A_90 = arith.constant 0 : i32
      %dma_wait3A_91 = tpu.memref_slice %arg11[%add3A_8, %dma_wait3A_90] : memref<10112x128xf32, #tpu.memory_space<vmem_shared>> -> memref<128x128xf32, #tpu.memory_space<vmem_shared>>
      %dma_wait3A_92 = arith.constant 0 : i32
      %dma_wait3A_93 = arith.constant 0 : i32
      %dma_wait3A_94 = tpu.memref_slice %arg9[%dma_wait3A_92, %dma_wait3A_93] : memref<128x128xf32, #tpu.memory_space<vmem>> -> memref<128x128xf32, #tpu.memory_space<vmem>>
      tpu.wait_dma2 semaphore(%run_scoped3A : memref<!tpu.dma_semaphore, #tpu.memory_space<semaphore_mem>>) src(%dma_wait3A_94 : memref<128x128xf32, #tpu.memory_space<vmem>>) dst(%dma_wait3A_91 : memref<128x128xf32, #tpu.memory_space<vmem_shared>>)
      tpu.yield
    }) : () -> ()
    %add3A_9 = arith.constant 384 : i32
    %add3A_10 = arith.addi %mul3A_2, %add3A_9 : i32
    "tpu.region"() ({
      %run_scoped3A = tpu.sem_alloc : memref<!tpu.dma_semaphore, #tpu.memory_space<semaphore_mem>>
      %dma_start3A_75 = arith.constant 0 : i32
      %dma_start3A_76 = arith.constant 0 : i32
      %dma_start3A_77 = tpu.memref_slice %arg9[%dma_start3A_75, %dma_start3A_76] : memref<128x128xf32, #tpu.memory_space<vmem>> -> memref<128x128xf32, #tpu.memory_space<vmem>>
      %dma_start3A_78 = arith.constant 0 : i32
      %dma_start3A_79 = tpu.memref_slice %arg11[%add3A_10, %dma_start3A_78] : memref<10112x128xf32, #tpu.memory_space<vmem_shared>> -> memref<128x128xf32, #tpu.memory_space<vmem_shared>>
      %dma_start3A_80 = arith.constant 0 : i32
      %dma_start3A_81 = tpu.memref_slice %arg11[%add3A_10, %dma_start3A_80] : memref<10112x128xf32, #tpu.memory_space<vmem_shared>> -> memref<128x128xf32, #tpu.memory_space<vmem_shared>>
      %dma_start3A_82 = arith.constant 0 : i32
      %dma_start3A_83 = arith.constant 0 : i32
      %dma_start3A_84 = tpu.memref_slice %arg9[%dma_start3A_82, %dma_start3A_83] : memref<128x128xf32, #tpu.memory_space<vmem>> -> memref<128x128xf32, #tpu.memory_space<vmem>>
      tpu.enqueue_dma source(%dma_start3A_84 : memref<128x128xf32, #tpu.memory_space<vmem>>) target(%dma_start3A_81 : memref<128x128xf32, #tpu.memory_space<vmem_shared>>) target_semaphore(%run_scoped3A : memref<!tpu.dma_semaphore, #tpu.memory_space<semaphore_mem>>)
      %dma_wait3A_85 = arith.constant 0 : i32
      %dma_wait3A_86 = arith.constant 0 : i32
      %dma_wait3A_87 = tpu.memref_slice %arg9[%dma_wait3A_85, %dma_wait3A_86] : memref<128x128xf32, #tpu.memory_space<vmem>> -> memref<128x128xf32, #tpu.memory_space<vmem>>
      %dma_wait3A_88 = arith.constant 0 : i32
      %dma_wait3A_89 = tpu.memref_slice %arg11[%add3A_10, %dma_wait3A_88] : memref<10112x128xf32, #tpu.memory_space<vmem_shared>> -> memref<128x128xf32, #tpu.memory_space<vmem_shared>>
      %dma_wait3A_90 = arith.constant 0 : i32
      %dma_wait3A_91 = tpu.memref_slice %arg11[%add3A_10, %dma_wait3A_90] : memref<10112x128xf32, #tpu.memory_space<vmem_shared>> -> memref<128x128xf32, #tpu.memory_space<vmem_shared>>
      %dma_wait3A_92 = arith.constant 0 : i32
      %dma_wait3A_93 = arith.constant 0 : i32
      %dma_wait3A_94 = tpu.memref_slice %arg9[%dma_wait3A_92, %dma_wait3A_93] : memref<128x128xf32, #tpu.memory_space<vmem>> -> memref<128x128xf32, #tpu.memory_space<vmem>>
      tpu.wait_dma2 semaphore(%run_scoped3A : memref<!tpu.dma_semaphore, #tpu.memory_space<semaphore_mem>>) src(%dma_wait3A_94 : memref<128x128xf32, #tpu.memory_space<vmem>>) dst(%dma_wait3A_91 : memref<128x128xf32, #tpu.memory_space<vmem_shared>>)
      tpu.yield
    }) : () -> ()
    %add3A_11 = arith.constant 512 : i32
    %add3A_12 = arith.addi %mul3A_2, %add3A_11 : i32
    "tpu.region"() ({
      %run_scoped3A = tpu.sem_alloc : memref<!tpu.dma_semaphore, #tpu.memory_space<semaphore_mem>>
      %dma_start3A_75 = arith.constant 0 : i32
      %dma_start3A_76 = arith.constant 0 : i32
      %dma_start3A_77 = tpu.memref_slice %arg9[%dma_start3A_75, %dma_start3A_76] : memref<128x128xf32, #tpu.memory_space<vmem>> -> memref<120x128xf32, #tpu.memory_space<vmem>>
      %dma_start3A_78 = arith.constant 0 : i32
      %dma_start3A_79 = tpu.memref_slice %arg11[%add3A_12, %dma_start3A_78] : memref<10112x128xf32, #tpu.memory_space<vmem_shared>> -> memref<120x128xf32, #tpu.memory_space<vmem_shared>>
      %dma_start3A_80 = arith.constant 0 : i32
      %dma_start3A_81 = tpu.memref_slice %arg11[%add3A_12, %dma_start3A_80] : memref<10112x128xf32, #tpu.memory_space<vmem_shared>> -> memref<120x128xf32, #tpu.memory_space<vmem_shared>>
      %dma_start3A_82 = arith.constant 0 : i32
      %dma_start3A_83 = arith.constant 0 : i32
      %dma_start3A_84 = tpu.memref_slice %arg9[%dma_start3A_82, %dma_start3A_83] : memref<128x128xf32, #tpu.memory_space<vmem>> -> memref<120x128xf32, #tpu.memory_space<vmem>>
      tpu.enqueue_dma source(%dma_start3A_84 : memref<120x128xf32, #tpu.memory_space<vmem>>) target(%dma_start3A_81 : memref<120x128xf32, #tpu.memory_space<vmem_shared>>) target_semaphore(%run_scoped3A : memref<!tpu.dma_semaphore, #tpu.memory_space<semaphore_mem>>)
      %dma_wait3A_85 = arith.constant 0 : i32
      %dma_wait3A_86 = arith.constant 0 : i32
      %dma_wait3A_87 = tpu.memref_slice %arg9[%dma_wait3A_85, %dma_wait3A_86] : memref<128x128xf32, #tpu.memory_space<vmem>> -> memref<120x128xf32, #tpu.memory_space<vmem>>
      %dma_wait3A_88 = arith.constant 0 : i32
      %dma_wait3A_89 = tpu.memref_slice %arg11[%add3A_12, %dma_wait3A_88] : memref<10112x128xf32, #tpu.memory_space<vmem_shared>> -> memref<120x128xf32, #tpu.memory_space<vmem_shared>>
      %dma_wait3A_90 = arith.constant 0 : i32
      %dma_wait3A_91 = tpu.memref_slice %arg11[%add3A_12, %dma_wait3A_90] : memref<10112x128xf32, #tpu.memory_space<vmem_shared>> -> memref<120x128xf32, #tpu.memory_space<vmem_shared>>
      %dma_wait3A_92 = arith.constant 0 : i32
      %dma_wait3A_93 = arith.constant 0 : i32
      %dma_wait3A_94 = tpu.memref_slice %arg9[%dma_wait3A_92, %dma_wait3A_93] : memref<128x128xf32, #tpu.memory_space<vmem>> -> memref<120x128xf32, #tpu.memory_space<vmem>>
      tpu.wait_dma2 semaphore(%run_scoped3A : memref<!tpu.dma_semaphore, #tpu.memory_space<semaphore_mem>>) src(%dma_wait3A_94 : memref<120x128xf32, #tpu.memory_space<vmem>>) dst(%dma_wait3A_91 : memref<120x128xf32, #tpu.memory_space<vmem_shared>>)
      tpu.yield
    }) : () -> ()
    %barrier3A = arith.constant 0 : index
    tpu.barrier barrier_id(%barrier3A)
    "tpu.region"() ({
      %run_scoped3A = tpu.sem_alloc : memref<!tpu.dma_semaphore, #tpu.memory_space<semaphore_mem>>
      %dma_start3A_75 = arith.constant 0 : i32
      %dma_start3A_76 = arith.constant 0 : i32
      %dma_start3A_77 = tpu.memref_slice %arg3[%add3A, %dma_start3A_75, %dma_start3A_76] : memref<32x80x128xi32, #tpu.memory_space<hbm>> -> memref<1x40x128xi32, #tpu.memory_space<hbm>>
      %dma_start3A_78 = tpu.memref_squeeze %dma_start3A_77 : memref<1x40x128xi32, #tpu.memory_space<hbm>> -> memref<40x128xi32, #tpu.memory_space<hbm>>
      %dma_start3A_79 = arith.constant 0 : i32
      %dma_start3A_80 = arith.constant 0 : i32
      %dma_start3A_81 = tpu.memref_slice %arg3[%add3A, %dma_start3A_79, %dma_start3A_80] : memref<32x80x128xi32, #tpu.memory_space<hbm>> -> memref<1x40x128xi32, #tpu.memory_space<hbm>>
      %dma_start3A_82 = tpu.memref_squeeze %dma_start3A_81 : memref<1x40x128xi32, #tpu.memory_space<hbm>> -> memref<40x128xi32, #tpu.memory_space<hbm>>
      tpu.enqueue_dma source(%dma_start3A_82 : memref<40x128xi32, #tpu.memory_space<hbm>>) target(%arg7 : memref<40x128xi32, #tpu.memory_space<vmem>>) target_semaphore(%run_scoped3A : memref<!tpu.dma_semaphore, #tpu.memory_space<semaphore_mem>>)
      %dma_wait3A_83 = arith.constant 0 : i32
      %dma_wait3A_84 = arith.constant 0 : i32
      %dma_wait3A_85 = tpu.memref_slice %arg3[%add3A, %dma_wait3A_83, %dma_wait3A_84] : memref<32x80x128xi32, #tpu.memory_space<hbm>> -> memref<1x40x128xi32, #tpu.memory_space<hbm>>
      %dma_wait3A_86 = tpu.memref_squeeze %dma_wait3A_85 : memref<1x40x128xi32, #tpu.memory_space<hbm>> -> memref<40x128xi32, #tpu.memory_space<hbm>>
      %dma_wait3A_87 = arith.constant 0 : i32
      %dma_wait3A_88 = arith.constant 0 : i32
      %dma_wait3A_89 = tpu.memref_slice %arg3[%add3A, %dma_wait3A_87, %dma_wait3A_88] : memref<32x80x128xi32, #tpu.memory_space<hbm>> -> memref<1x40x128xi32, #tpu.memory_space<hbm>>
      %dma_wait3A_90 = tpu.memref_squeeze %dma_wait3A_89 : memref<1x40x128xi32, #tpu.memory_space<hbm>> -> memref<40x128xi32, #tpu.memory_space<hbm>>
      tpu.wait_dma2 semaphore(%run_scoped3A : memref<!tpu.dma_semaphore, #tpu.memory_space<semaphore_mem>>) src(%dma_wait3A_90 : memref<40x128xi32, #tpu.memory_space<hbm>>) dst(%arg7 : memref<40x128xi32, #tpu.memory_space<vmem>>)
      tpu.yield
    }) : () -> ()
    "tpu.region"() ({
      %run_scoped3A = tpu.sem_alloc : memref<!tpu.dma_semaphore, #tpu.memory_space<semaphore_mem>>
      %dma_start3A_75 = arith.constant 0 : i32
      %dma_start3A_76 = arith.constant 0 : i32
      %dma_start3A_77 = tpu.memref_slice %arg4[%add3A, %dma_start3A_75, %dma_start3A_76] : memref<32x80x128xi32, #tpu.memory_space<hbm>> -> memref<1x40x128xi32, #tpu.memory_space<hbm>>
      %dma_start3A_78 = tpu.memref_squeeze %dma_start3A_77 : memref<1x40x128xi32, #tpu.memory_space<hbm>> -> memref<40x128xi32, #tpu.memory_space<hbm>>
      %dma_start3A_79 = arith.constant 0 : i32
      %dma_start3A_80 = arith.constant 0 : i32
      %dma_start3A_81 = tpu.memref_slice %arg4[%add3A, %dma_start3A_79, %dma_start3A_80] : memref<32x80x128xi32, #tpu.memory_space<hbm>> -> memref<1x40x128xi32, #tpu.memory_space<hbm>>
      %dma_start3A_82 = tpu.memref_squeeze %dma_start3A_81 : memref<1x40x128xi32, #tpu.memory_space<hbm>> -> memref<40x128xi32, #tpu.memory_space<hbm>>
      tpu.enqueue_dma source(%dma_start3A_82 : memref<40x128xi32, #tpu.memory_space<hbm>>) target(%arg8 : memref<40x128xi32, #tpu.memory_space<vmem>>) target_semaphore(%run_scoped3A : memref<!tpu.dma_semaphore, #tpu.memory_space<semaphore_mem>>)
      %dma_wait3A_83 = arith.constant 0 : i32
      %dma_wait3A_84 = arith.constant 0 : i32
      %dma_wait3A_85 = tpu.memref_slice %arg4[%add3A, %dma_wait3A_83, %dma_wait3A_84] : memref<32x80x128xi32, #tpu.memory_space<hbm>> -> memref<1x40x128xi32, #tpu.memory_space<hbm>>
      %dma_wait3A_86 = tpu.memref_squeeze %dma_wait3A_85 : memref<1x40x128xi32, #tpu.memory_space<hbm>> -> memref<40x128xi32, #tpu.memory_space<hbm>>
      %dma_wait3A_87 = arith.constant 0 : i32
      %dma_wait3A_88 = arith.constant 0 : i32
      %dma_wait3A_89 = tpu.memref_slice %arg4[%add3A, %dma_wait3A_87, %dma_wait3A_88] : memref<32x80x128xi32, #tpu.memory_space<hbm>> -> memref<1x40x128xi32, #tpu.memory_space<hbm>>
      %dma_wait3A_90 = tpu.memref_squeeze %dma_wait3A_89 : memref<1x40x128xi32, #tpu.memory_space<hbm>> -> memref<40x128xi32, #tpu.memory_space<hbm>>
      tpu.wait_dma2 semaphore(%run_scoped3A : memref<!tpu.dma_semaphore, #tpu.memory_space<semaphore_mem>>) src(%dma_wait3A_90 : memref<40x128xi32, #tpu.memory_space<hbm>>) dst(%arg8 : memref<40x128xi32, #tpu.memory_space<vmem>>)
      tpu.yield
    }) : () -> ()
    %dma_start3A = arith.constant 0 : i32
    %dma_start3A_13 = arith.constant 0 : i32
    %dma_start3A_14 = arith.constant 0 : i32
    %dma_start3A_15 = tpu.memref_slice %arg9[%dma_start3A_13, %dma_start3A_14] : memref<128x128xf32, #tpu.memory_space<vmem>> -> memref<64x128xf32, #tpu.memory_space<vmem>>
    %dma_start3A_16 = arith.constant 0 : i32
    %dma_start3A_17 = tpu.memref_slice %arg7[%dma_start3A, %dma_start3A_16] : memref<40x128xi32, #tpu.memory_space<vmem>> -> memref<1x64xi32, #tpu.memory_space<vmem>>
    %dma_start3A_18 = tpu.memref_squeeze %dma_start3A_17 : memref<1x64xi32, #tpu.memory_space<vmem>> -> memref<64xi32, #tpu.memory_space<vmem>>
    %dma_start3A_19 = arith.constant 0 : i32
    %dma_start3A_20 = arith.constant 0 : i32
    %dma_start3A_21 = tpu.memref_slice %arg2[%dma_start3A_19, %dma_start3A_20] : memref<10112x128xf32, #tpu.memory_space<hbm>> -> memref<10112x128xf32, #tpu.memory_space<hbm>>
    tpu.enqueue_indirect_dma source(%dma_start3A_21 : memref<10112x128xf32, #tpu.memory_space<hbm>>) target(%dma_start3A_15 : memref<64x128xf32, #tpu.memory_space<vmem>>) offsets(%dma_start3A_18 : memref<64xi32, #tpu.memory_space<vmem>>) semaphore(%arg12 : memref<!tpu.dma_semaphore, #tpu.memory_space<semaphore_mem>>)
    %dma_start3A_22 = arith.constant 0 : i32
    %dma_start3A_23 = arith.constant 64 : i32
    %dma_start3A_24 = arith.constant 0 : i32
    %dma_start3A_25 = tpu.memref_slice %arg9[%dma_start3A_23, %dma_start3A_24] : memref<128x128xf32, #tpu.memory_space<vmem>> -> memref<64x128xf32, #tpu.memory_space<vmem>>
    %dma_start3A_26 = arith.constant 64 : i32
    %dma_start3A_27 = tpu.memref_slice %arg7[%dma_start3A_22, %dma_start3A_26] : memref<40x128xi32, #tpu.memory_space<vmem>> -> memref<1x64xi32, #tpu.memory_space<vmem>>
    %dma_start3A_28 = tpu.memref_squeeze %dma_start3A_27 : memref<1x64xi32, #tpu.memory_space<vmem>> -> memref<64xi32, #tpu.memory_space<vmem>>
    %dma_start3A_29 = arith.constant 0 : i32
    %dma_start3A_30 = arith.constant 0 : i32
    %dma_start3A_31 = tpu.memref_slice %arg2[%dma_start3A_29, %dma_start3A_30] : memref<10112x128xf32, #tpu.memory_space<hbm>> -> memref<10112x128xf32, #tpu.memory_space<hbm>>
    tpu.enqueue_indirect_dma source(%dma_start3A_31 : memref<10112x128xf32, #tpu.memory_space<hbm>>) target(%dma_start3A_25 : memref<64x128xf32, #tpu.memory_space<vmem>>) offsets(%dma_start3A_28 : memref<64xi32, #tpu.memory_space<vmem>>) semaphore(%arg12 : memref<!tpu.dma_semaphore, #tpu.memory_space<semaphore_mem>>)
    %scan3A = arith.constant 0 : i32
    %scan3A_32 = arith.constant 0 : i32
    %scan3A_33 = arith.constant 20 : i32
    %scan3A_34 = arith.addi %scan3A_32, %scan3A_33 : i32
    %scan3A_35 = arith.constant 1 : i32
    scf.for %scan3A_75 = %scan3A_32 to %scan3A_34 step %scan3A_35  : i32 {
      %mul3A_76 = arith.constant 2 : i32
      %mul3A_77 = arith.muli %mul3A_76, %scan3A_75 : i32
      %dma_wait3A_78 = arith.constant 0 : i32
      %dma_wait3A_79 = arith.constant 0 : i32
      %dma_wait3A_80 = tpu.memref_slice %arg9[%dma_wait3A_78, %dma_wait3A_79] : memref<128x128xf32, #tpu.memory_space<vmem>> -> memref<64x128xf32, #tpu.memory_space<vmem>>
      %dma_wait3A_81 = arith.constant 0 : i32
      %dma_wait3A_82 = arith.constant 0 : i32
      %dma_wait3A_83 = tpu.memref_slice %arg2[%dma_wait3A_81, %dma_wait3A_82] : memref<10112x128xf32, #tpu.memory_space<hbm>> -> memref<64x128xf32, #tpu.memory_space<hbm>>
      %dma_wait3A_84 = arith.constant 0 : i32
      %dma_wait3A_85 = arith.constant 0 : i32
      %dma_wait3A_86 = tpu.memref_slice %arg9[%dma_wait3A_84, %dma_wait3A_85] : memref<128x128xf32, #tpu.memory_space<vmem>> -> memref<64x128xf32, #tpu.memory_space<vmem>>
      %dma_wait3A_87 = arith.constant 0 : i32
      %dma_wait3A_88 = arith.constant 0 : i32
      %dma_wait3A_89 = tpu.memref_slice %arg2[%dma_wait3A_87, %dma_wait3A_88] : memref<10112x128xf32, #tpu.memory_space<hbm>> -> memref<64x128xf32, #tpu.memory_space<hbm>>
      tpu.wait_dma2 semaphore(%arg12 : memref<!tpu.dma_semaphore, #tpu.memory_space<semaphore_mem>>) src(%dma_wait3A_89 : memref<64x128xf32, #tpu.memory_space<hbm>>) dst(%dma_wait3A_86 : memref<64x128xf32, #tpu.memory_space<vmem>>)
      %dma_wait3A_90 = arith.constant 0 : i32
      %dma_wait3A_91 = arith.constant 0 : i32
      %dma_wait3A_92 = tpu.memref_slice %arg9[%dma_wait3A_90, %dma_wait3A_91] : memref<128x128xf32, #tpu.memory_space<vmem>> -> memref<64x128xf32, #tpu.memory_space<vmem>>
      %dma_wait3A_93 = arith.constant 0 : i32
      %dma_wait3A_94 = arith.constant 0 : i32
      %dma_wait3A_95 = tpu.memref_slice %arg2[%dma_wait3A_93, %dma_wait3A_94] : memref<10112x128xf32, #tpu.memory_space<hbm>> -> memref<64x128xf32, #tpu.memory_space<hbm>>
      %dma_wait3A_96 = arith.constant 0 : i32
      %dma_wait3A_97 = arith.constant 0 : i32
      %dma_wait3A_98 = tpu.memref_slice %arg9[%dma_wait3A_96, %dma_wait3A_97] : memref<128x128xf32, #tpu.memory_space<vmem>> -> memref<64x128xf32, #tpu.memory_space<vmem>>
      %dma_wait3A_99 = arith.constant 0 : i32
      %dma_wait3A_100 = arith.constant 0 : i32
      %dma_wait3A_101 = tpu.memref_slice %arg2[%dma_wait3A_99, %dma_wait3A_100] : memref<10112x128xf32, #tpu.memory_space<hbm>> -> memref<64x128xf32, #tpu.memory_space<hbm>>
      tpu.wait_dma2 semaphore(%arg12 : memref<!tpu.dma_semaphore, #tpu.memory_space<semaphore_mem>>) src(%dma_wait3A_101 : memref<64x128xf32, #tpu.memory_space<hbm>>) dst(%dma_wait3A_98 : memref<64x128xf32, #tpu.memory_space<vmem>>)
      %gt3A = arith.constant 0 : i32
      %gt3A_102 = arith.cmpi sgt, %scan3A_75, %gt3A : i32
      %convert_element_type3A = arith.extui %gt3A_102 : i1 to i32
      %cond3A = arith.constant 0 : i32
      %cond3A_103 = arith.cmpi ne, %convert_element_type3A, %cond3A : i32
      scf.if %cond3A_103 {
        %dma_wait3A_174 = arith.constant 0 : i32
        %dma_wait3A_175 = arith.constant 0 : i32
        %dma_wait3A_176 = tpu.memref_slice %arg11[%dma_wait3A_174, %dma_wait3A_175] : memref<10112x128xf32, #tpu.memory_space<vmem_shared>> -> memref<128x128xf32, #tpu.memory_space<vmem_shared>>
        %dma_wait3A_177 = arith.constant 0 : i32
        %dma_wait3A_178 = arith.constant 0 : i32
        %dma_wait3A_179 = tpu.memref_slice %arg11[%dma_wait3A_177, %dma_wait3A_178] : memref<10112x128xf32, #tpu.memory_space<vmem_shared>> -> memref<128x128xf32, #tpu.memory_space<vmem_shared>>
        tpu.wait_dma2 semaphore(%arg15 : memref<!tpu.dma_semaphore, #tpu.memory_space<semaphore_mem>>) src(%arg10 : memref<128x128xf32, #tpu.memory_space<vmem>>) dst(%dma_wait3A_179 : memref<128x128xf32, #tpu.memory_space<vmem_shared>>)
      } else {
      }
      %add3A_104 = arith.constant 1 : i32
      %add3A_105 = arith.addi %mul3A_77, %add3A_104 : i32
      %dma_start3A_106 = arith.constant 0 : i32
      %dma_start3A_107 = arith.constant 0 : i32
      %dma_start3A_108 = tpu.memref_slice %arg10[%dma_start3A_106, %dma_start3A_107] : memref<128x128xf32, #tpu.memory_space<vmem>> -> memref<64x128xf32, #tpu.memory_space<vmem>>
      %dma_start3A_109 = arith.constant 0 : i32
      %dma_start3A_110 = tpu.memref_slice %arg7[%add3A_105, %dma_start3A_109] : memref<40x128xi32, #tpu.memory_space<vmem>> -> memref<1x64xi32, #tpu.memory_space<vmem>>
      %dma_start3A_111 = tpu.memref_squeeze %dma_start3A_110 : memref<1x64xi32, #tpu.memory_space<vmem>> -> memref<64xi32, #tpu.memory_space<vmem>>
      %dma_start3A_112 = arith.constant 0 : i32
      %dma_start3A_113 = arith.constant 0 : i32
      %dma_start3A_114 = tpu.memref_slice %arg2[%dma_start3A_112, %dma_start3A_113] : memref<10112x128xf32, #tpu.memory_space<hbm>> -> memref<10112x128xf32, #tpu.memory_space<hbm>>
      tpu.enqueue_indirect_dma source(%dma_start3A_114 : memref<10112x128xf32, #tpu.memory_space<hbm>>) target(%dma_start3A_108 : memref<64x128xf32, #tpu.memory_space<vmem>>) offsets(%dma_start3A_111 : memref<64xi32, #tpu.memory_space<vmem>>) semaphore(%arg13 : memref<!tpu.dma_semaphore, #tpu.memory_space<semaphore_mem>>)
      %dma_start3A_115 = arith.constant 64 : i32
      %dma_start3A_116 = arith.constant 0 : i32
      %dma_start3A_117 = tpu.memref_slice %arg10[%dma_start3A_115, %dma_start3A_116] : memref<128x128xf32, #tpu.memory_space<vmem>> -> memref<64x128xf32, #tpu.memory_space<vmem>>
      %dma_start3A_118 = arith.constant 64 : i32
      %dma_start3A_119 = tpu.memref_slice %arg7[%add3A_105, %dma_start3A_118] : memref<40x128xi32, #tpu.memory_space<vmem>> -> memref<1x64xi32, #tpu.memory_space<vmem>>
      %dma_start3A_120 = tpu.memref_squeeze %dma_start3A_119 : memref<1x64xi32, #tpu.memory_space<vmem>> -> memref<64xi32, #tpu.memory_space<vmem>>
      %dma_start3A_121 = arith.constant 0 : i32
      %dma_start3A_122 = arith.constant 0 : i32
      %dma_start3A_123 = tpu.memref_slice %arg2[%dma_start3A_121, %dma_start3A_122] : memref<10112x128xf32, #tpu.memory_space<hbm>> -> memref<10112x128xf32, #tpu.memory_space<hbm>>
      tpu.enqueue_indirect_dma source(%dma_start3A_123 : memref<10112x128xf32, #tpu.memory_space<hbm>>) target(%dma_start3A_117 : memref<64x128xf32, #tpu.memory_space<vmem>>) offsets(%dma_start3A_120 : memref<64xi32, #tpu.memory_space<vmem>>) semaphore(%arg13 : memref<!tpu.dma_semaphore, #tpu.memory_space<semaphore_mem>>)
      %dma_start3A_124 = arith.constant 0 : i32
      %dma_start3A_125 = tpu.memref_slice %arg8[%mul3A_77, %dma_start3A_124] : memref<40x128xi32, #tpu.memory_space<vmem>> -> memref<1x128xi32, #tpu.memory_space<vmem>>
      %dma_start3A_126 = tpu.memref_squeeze %dma_start3A_125 : memref<1x128xi32, #tpu.memory_space<vmem>> -> memref<128xi32, #tpu.memory_space<vmem>>
      %dma_start3A_127 = arith.constant 0 : i32
      %dma_start3A_128 = arith.constant 0 : i32
      %dma_start3A_129 = tpu.memref_slice %arg11[%dma_start3A_127, %dma_start3A_128] : memref<10112x128xf32, #tpu.memory_space<vmem_shared>> -> memref<10112x128xf32, #tpu.memory_space<vmem_shared>>
      tpu.enqueue_indirect_dma source(%arg9 : memref<128x128xf32, #tpu.memory_space<vmem>>) target(%dma_start3A_129 : memref<10112x128xf32, #tpu.memory_space<vmem_shared>>) offsets(%dma_start3A_126 : memref<128xi32, #tpu.memory_space<vmem>>) semaphore(%arg14 : memref<!tpu.dma_semaphore, #tpu.memory_space<semaphore_mem>>) {add = true}
      %dma_wait3A_130 = arith.constant 0 : i32
      %dma_wait3A_131 = arith.constant 0 : i32
      %dma_wait3A_132 = tpu.memref_slice %arg10[%dma_wait3A_130, %dma_wait3A_131] : memref<128x128xf32, #tpu.memory_space<vmem>> -> memref<64x128xf32, #tpu.memory_space<vmem>>
      %dma_wait3A_133 = arith.constant 0 : i32
      %dma_wait3A_134 = arith.constant 0 : i32
      %dma_wait3A_135 = tpu.memref_slice %arg2[%dma_wait3A_133, %dma_wait3A_134] : memref<10112x128xf32, #tpu.memory_space<hbm>> -> memref<64x128xf32, #tpu.memory_space<hbm>>
      %dma_wait3A_136 = arith.constant 0 : i32
      %dma_wait3A_137 = arith.constant 0 : i32
      %dma_wait3A_138 = tpu.memref_slice %arg10[%dma_wait3A_136, %dma_wait3A_137] : memref<128x128xf32, #tpu.memory_space<vmem>> -> memref<64x128xf32, #tpu.memory_space<vmem>>
      %dma_wait3A_139 = arith.constant 0 : i32
      %dma_wait3A_140 = arith.constant 0 : i32
      %dma_wait3A_141 = tpu.memref_slice %arg2[%dma_wait3A_139, %dma_wait3A_140] : memref<10112x128xf32, #tpu.memory_space<hbm>> -> memref<64x128xf32, #tpu.memory_space<hbm>>
      tpu.wait_dma2 semaphore(%arg13 : memref<!tpu.dma_semaphore, #tpu.memory_space<semaphore_mem>>) src(%dma_wait3A_141 : memref<64x128xf32, #tpu.memory_space<hbm>>) dst(%dma_wait3A_138 : memref<64x128xf32, #tpu.memory_space<vmem>>)
      %dma_wait3A_142 = arith.constant 0 : i32
      %dma_wait3A_143 = arith.constant 0 : i32
      %dma_wait3A_144 = tpu.memref_slice %arg10[%dma_wait3A_142, %dma_wait3A_143] : memref<128x128xf32, #tpu.memory_space<vmem>> -> memref<64x128xf32, #tpu.memory_space<vmem>>
      %dma_wait3A_145 = arith.constant 0 : i32
      %dma_wait3A_146 = arith.constant 0 : i32
      %dma_wait3A_147 = tpu.memref_slice %arg2[%dma_wait3A_145, %dma_wait3A_146] : memref<10112x128xf32, #tpu.memory_space<hbm>> -> memref<64x128xf32, #tpu.memory_space<hbm>>
      %dma_wait3A_148 = arith.constant 0 : i32
      %dma_wait3A_149 = arith.constant 0 : i32
      %dma_wait3A_150 = tpu.memref_slice %arg10[%dma_wait3A_148, %dma_wait3A_149] : memref<128x128xf32, #tpu.memory_space<vmem>> -> memref<64x128xf32, #tpu.memory_space<vmem>>
      %dma_wait3A_151 = arith.constant 0 : i32
      %dma_wait3A_152 = arith.constant 0 : i32
      %dma_wait3A_153 = tpu.memref_slice %arg2[%dma_wait3A_151, %dma_wait3A_152] : memref<10112x128xf32, #tpu.memory_space<hbm>> -> memref<64x128xf32, #tpu.memory_space<hbm>>
      tpu.wait_dma2 semaphore(%arg13 : memref<!tpu.dma_semaphore, #tpu.memory_space<semaphore_mem>>) src(%dma_wait3A_153 : memref<64x128xf32, #tpu.memory_space<hbm>>) dst(%dma_wait3A_150 : memref<64x128xf32, #tpu.memory_space<vmem>>)
      %dma_wait3A_154 = arith.constant 0 : i32
      %dma_wait3A_155 = arith.constant 0 : i32
      %dma_wait3A_156 = tpu.memref_slice %arg11[%dma_wait3A_154, %dma_wait3A_155] : memref<10112x128xf32, #tpu.memory_space<vmem_shared>> -> memref<128x128xf32, #tpu.memory_space<vmem_shared>>
      %dma_wait3A_157 = arith.constant 0 : i32
      %dma_wait3A_158 = arith.constant 0 : i32
      %dma_wait3A_159 = tpu.memref_slice %arg11[%dma_wait3A_157, %dma_wait3A_158] : memref<10112x128xf32, #tpu.memory_space<vmem_shared>> -> memref<128x128xf32, #tpu.memory_space<vmem_shared>>
      tpu.wait_dma2 semaphore(%arg14 : memref<!tpu.dma_semaphore, #tpu.memory_space<semaphore_mem>>) src(%arg9 : memref<128x128xf32, #tpu.memory_space<vmem>>) dst(%dma_wait3A_159 : memref<128x128xf32, #tpu.memory_space<vmem_shared>>)
      %add3A_160 = arith.constant 2 : i32
      %add3A_161 = arith.addi %mul3A_77, %add3A_160 : i32
      %lt3A = arith.constant 40 : i32
      %lt3A_162 = arith.cmpi slt, %add3A_161, %lt3A : i32
      %convert_element_type3A_163 = arith.extui %lt3A_162 : i1 to i32
      %cond3A_164 = arith.constant 0 : i32
      %cond3A_165 = arith.cmpi ne, %convert_element_type3A_163, %cond3A_164 : i32
      scf.if %cond3A_165 {
        %add3A_174 = arith.constant 2 : i32
        %add3A_175 = arith.addi %mul3A_77, %add3A_174 : i32
        %dma_start3A_176 = arith.constant 0 : i32
        %dma_start3A_177 = arith.constant 0 : i32
        %dma_start3A_178 = tpu.memref_slice %arg9[%dma_start3A_176, %dma_start3A_177] : memref<128x128xf32, #tpu.memory_space<vmem>> -> memref<64x128xf32, #tpu.memory_space<vmem>>
        %dma_start3A_179 = arith.constant 0 : i32
        %dma_start3A_180 = tpu.memref_slice %arg7[%add3A_175, %dma_start3A_179] : memref<40x128xi32, #tpu.memory_space<vmem>> -> memref<1x64xi32, #tpu.memory_space<vmem>>
        %dma_start3A_181 = tpu.memref_squeeze %dma_start3A_180 : memref<1x64xi32, #tpu.memory_space<vmem>> -> memref<64xi32, #tpu.memory_space<vmem>>
        %dma_start3A_182 = arith.constant 0 : i32
        %dma_start3A_183 = arith.constant 0 : i32
        %dma_start3A_184 = tpu.memref_slice %arg2[%dma_start3A_182, %dma_start3A_183] : memref<10112x128xf32, #tpu.memory_space<hbm>> -> memref<10112x128xf32, #tpu.memory_space<hbm>>
        tpu.enqueue_indirect_dma source(%dma_start3A_184 : memref<10112x128xf32, #tpu.memory_space<hbm>>) target(%dma_start3A_178 : memref<64x128xf32, #tpu.memory_space<vmem>>) offsets(%dma_start3A_181 : memref<64xi32, #tpu.memory_space<vmem>>) semaphore(%arg12 : memref<!tpu.dma_semaphore, #tpu.memory_space<semaphore_mem>>)
        %dma_start3A_185 = arith.constant 64 : i32
        %dma_start3A_186 = arith.constant 0 : i32
        %dma_start3A_187 = tpu.memref_slice %arg9[%dma_start3A_185, %dma_start3A_186] : memref<128x128xf32, #tpu.memory_space<vmem>> -> memref<64x128xf32, #tpu.memory_space<vmem>>
        %dma_start3A_188 = arith.constant 64 : i32
        %dma_start3A_189 = tpu.memref_slice %arg7[%add3A_175, %dma_start3A_188] : memref<40x128xi32, #tpu.memory_space<vmem>> -> memref<1x64xi32, #tpu.memory_space<vmem>>
        %dma_start3A_190 = tpu.memref_squeeze %dma_start3A_189 : memref<1x64xi32, #tpu.memory_space<vmem>> -> memref<64xi32, #tpu.memory_space<vmem>>
        %dma_start3A_191 = arith.constant 0 : i32
        %dma_start3A_192 = arith.constant 0 : i32
        %dma_start3A_193 = tpu.memref_slice %arg2[%dma_start3A_191, %dma_start3A_192] : memref<10112x128xf32, #tpu.memory_space<hbm>> -> memref<10112x128xf32, #tpu.memory_space<hbm>>
        tpu.enqueue_indirect_dma source(%dma_start3A_193 : memref<10112x128xf32, #tpu.memory_space<hbm>>) target(%dma_start3A_187 : memref<64x128xf32, #tpu.memory_space<vmem>>) offsets(%dma_start3A_190 : memref<64xi32, #tpu.memory_space<vmem>>) semaphore(%arg12 : memref<!tpu.dma_semaphore, #tpu.memory_space<semaphore_mem>>)
      } else {
      }
      %add3A_166 = arith.constant 1 : i32
      %add3A_167 = arith.addi %mul3A_77, %add3A_166 : i32
      %dma_start3A_168 = arith.constant 0 : i32
      %dma_start3A_169 = tpu.memref_slice %arg8[%add3A_167, %dma_start3A_168] : memref<40x128xi32, #tpu.memory_space<vmem>> -> memref<1x128xi32, #tpu.memory_space<vmem>>
      %dma_start3A_170 = tpu.memref_squeeze %dma_start3A_169 : memref<1x128xi32, #tpu.memory_space<vmem>> -> memref<128xi32, #tpu.memory_space<vmem>>
      %dma_start3A_171 = arith.constant 0 : i32
      %dma_start3A_172 = arith.constant 0 : i32
      %dma_start3A_173 = tpu.memref_slice %arg11[%dma_start3A_171, %dma_start3A_172] : memref<10112x128xf32, #tpu.memory_space<vmem_shared>> -> memref<10112x128xf32, #tpu.memory_space<vmem_shared>>
      tpu.enqueue_indirect_dma source(%arg10 : memref<128x128xf32, #tpu.memory_space<vmem>>) target(%dma_start3A_173 : memref<10112x128xf32, #tpu.memory_space<vmem_shared>>) offsets(%dma_start3A_170 : memref<128xi32, #tpu.memory_space<vmem>>) semaphore(%arg15 : memref<!tpu.dma_semaphore, #tpu.memory_space<semaphore_mem>>) {add = true}
    }
    %scan3A_36 = arith.constant 20 : i32
    %dma_wait3A = arith.constant 0 : i32
    %dma_wait3A_37 = arith.constant 0 : i32
    %dma_wait3A_38 = tpu.memref_slice %arg11[%dma_wait3A, %dma_wait3A_37] : memref<10112x128xf32, #tpu.memory_space<vmem_shared>> -> memref<128x128xf32, #tpu.memory_space<vmem_shared>>
    %dma_wait3A_39 = arith.constant 0 : i32
    %dma_wait3A_40 = arith.constant 0 : i32
    %dma_wait3A_41 = tpu.memref_slice %arg11[%dma_wait3A_39, %dma_wait3A_40] : memref<10112x128xf32, #tpu.memory_space<vmem_shared>> -> memref<128x128xf32, #tpu.memory_space<vmem_shared>>
    tpu.wait_dma2 semaphore(%arg15 : memref<!tpu.dma_semaphore, #tpu.memory_space<semaphore_mem>>) src(%arg10 : memref<128x128xf32, #tpu.memory_space<vmem>>) dst(%dma_wait3A_41 : memref<128x128xf32, #tpu.memory_space<vmem_shared>>)
    "tpu.region"() ({
      %run_scoped3A = tpu.sem_alloc : memref<!tpu.dma_semaphore, #tpu.memory_space<semaphore_mem>>
      %dma_start3A_75 = arith.constant 40 : i32
      %dma_start3A_76 = arith.constant 0 : i32
      %dma_start3A_77 = tpu.memref_slice %arg3[%add3A, %dma_start3A_75, %dma_start3A_76] : memref<32x80x128xi32, #tpu.memory_space<hbm>> -> memref<1x40x128xi32, #tpu.memory_space<hbm>>
      %dma_start3A_78 = tpu.memref_squeeze %dma_start3A_77 : memref<1x40x128xi32, #tpu.memory_space<hbm>> -> memref<40x128xi32, #tpu.memory_space<hbm>>
      %dma_start3A_79 = arith.constant 40 : i32
      %dma_start3A_80 = arith.constant 0 : i32
      %dma_start3A_81 = tpu.memref_slice %arg3[%add3A, %dma_start3A_79, %dma_start3A_80] : memref<32x80x128xi32, #tpu.memory_space<hbm>> -> memref<1x40x128xi32, #tpu.memory_space<hbm>>
      %dma_start3A_82 = tpu.memref_squeeze %dma_start3A_81 : memref<1x40x128xi32, #tpu.memory_space<hbm>> -> memref<40x128xi32, #tpu.memory_space<hbm>>
      tpu.enqueue_dma source(%dma_start3A_82 : memref<40x128xi32, #tpu.memory_space<hbm>>) target(%arg7 : memref<40x128xi32, #tpu.memory_space<vmem>>) target_semaphore(%run_scoped3A : memref<!tpu.dma_semaphore, #tpu.memory_space<semaphore_mem>>)
      %dma_wait3A_83 = arith.constant 40 : i32
      %dma_wait3A_84 = arith.constant 0 : i32
      %dma_wait3A_85 = tpu.memref_slice %arg3[%add3A, %dma_wait3A_83, %dma_wait3A_84] : memref<32x80x128xi32, #tpu.memory_space<hbm>> -> memref<1x40x128xi32, #tpu.memory_space<hbm>>
      %dma_wait3A_86 = tpu.memref_squeeze %dma_wait3A_85 : memref<1x40x128xi32, #tpu.memory_space<hbm>> -> memref<40x128xi32, #tpu.memory_space<hbm>>
      %dma_wait3A_87 = arith.constant 40 : i32
      %dma_wait3A_88 = arith.constant 0 : i32
      %dma_wait3A_89 = tpu.memref_slice %arg3[%add3A, %dma_wait3A_87, %dma_wait3A_88] : memref<32x80x128xi32, #tpu.memory_space<hbm>> -> memref<1x40x128xi32, #tpu.memory_space<hbm>>
      %dma_wait3A_90 = tpu.memref_squeeze %dma_wait3A_89 : memref<1x40x128xi32, #tpu.memory_space<hbm>> -> memref<40x128xi32, #tpu.memory_space<hbm>>
      tpu.wait_dma2 semaphore(%run_scoped3A : memref<!tpu.dma_semaphore, #tpu.memory_space<semaphore_mem>>) src(%dma_wait3A_90 : memref<40x128xi32, #tpu.memory_space<hbm>>) dst(%arg7 : memref<40x128xi32, #tpu.memory_space<vmem>>)
      tpu.yield
    }) : () -> ()
    "tpu.region"() ({
      %run_scoped3A = tpu.sem_alloc : memref<!tpu.dma_semaphore, #tpu.memory_space<semaphore_mem>>
      %dma_start3A_75 = arith.constant 40 : i32
      %dma_start3A_76 = arith.constant 0 : i32
      %dma_start3A_77 = tpu.memref_slice %arg4[%add3A, %dma_start3A_75, %dma_start3A_76] : memref<32x80x128xi32, #tpu.memory_space<hbm>> -> memref<1x40x128xi32, #tpu.memory_space<hbm>>
      %dma_start3A_78 = tpu.memref_squeeze %dma_start3A_77 : memref<1x40x128xi32, #tpu.memory_space<hbm>> -> memref<40x128xi32, #tpu.memory_space<hbm>>
      %dma_start3A_79 = arith.constant 40 : i32
      %dma_start3A_80 = arith.constant 0 : i32
      %dma_start3A_81 = tpu.memref_slice %arg4[%add3A, %dma_start3A_79, %dma_start3A_80] : memref<32x80x128xi32, #tpu.memory_space<hbm>> -> memref<1x40x128xi32, #tpu.memory_space<hbm>>
      %dma_start3A_82 = tpu.memref_squeeze %dma_start3A_81 : memref<1x40x128xi32, #tpu.memory_space<hbm>> -> memref<40x128xi32, #tpu.memory_space<hbm>>
      tpu.enqueue_dma source(%dma_start3A_82 : memref<40x128xi32, #tpu.memory_space<hbm>>) target(%arg8 : memref<40x128xi32, #tpu.memory_space<vmem>>) target_semaphore(%run_scoped3A : memref<!tpu.dma_semaphore, #tpu.memory_space<semaphore_mem>>)
      %dma_wait3A_83 = arith.constant 40 : i32
      %dma_wait3A_84 = arith.constant 0 : i32
      %dma_wait3A_85 = tpu.memref_slice %arg4[%add3A, %dma_wait3A_83, %dma_wait3A_84] : memref<32x80x128xi32, #tpu.memory_space<hbm>> -> memref<1x40x128xi32, #tpu.memory_space<hbm>>
      %dma_wait3A_86 = tpu.memref_squeeze %dma_wait3A_85 : memref<1x40x128xi32, #tpu.memory_space<hbm>> -> memref<40x128xi32, #tpu.memory_space<hbm>>
      %dma_wait3A_87 = arith.constant 40 : i32
      %dma_wait3A_88 = arith.constant 0 : i32
      %dma_wait3A_89 = tpu.memref_slice %arg4[%add3A, %dma_wait3A_87, %dma_wait3A_88] : memref<32x80x128xi32, #tpu.memory_space<hbm>> -> memref<1x40x128xi32, #tpu.memory_space<hbm>>
      %dma_wait3A_90 = tpu.memref_squeeze %dma_wait3A_89 : memref<1x40x128xi32, #tpu.memory_space<hbm>> -> memref<40x128xi32, #tpu.memory_space<hbm>>
      tpu.wait_dma2 semaphore(%run_scoped3A : memref<!tpu.dma_semaphore, #tpu.memory_space<semaphore_mem>>) src(%dma_wait3A_90 : memref<40x128xi32, #tpu.memory_space<hbm>>) dst(%arg8 : memref<40x128xi32, #tpu.memory_space<vmem>>)
      tpu.yield
    }) : () -> ()
    %dma_start3A_42 = arith.constant 0 : i32
    %dma_start3A_43 = arith.constant 0 : i32
    %dma_start3A_44 = arith.constant 0 : i32
    %dma_start3A_45 = tpu.memref_slice %arg9[%dma_start3A_43, %dma_start3A_44] : memref<128x128xf32, #tpu.memory_space<vmem>> -> memref<64x128xf32, #tpu.memory_space<vmem>>
    %dma_start3A_46 = arith.constant 0 : i32
    %dma_start3A_47 = tpu.memref_slice %arg7[%dma_start3A_42, %dma_start3A_46] : memref<40x128xi32, #tpu.memory_space<vmem>> -> memref<1x64xi32, #tpu.memory_space<vmem>>
    %dma_start3A_48 = tpu.memref_squeeze %dma_start3A_47 : memref<1x64xi32, #tpu.memory_space<vmem>> -> memref<64xi32, #tpu.memory_space<vmem>>
    %dma_start3A_49 = arith.constant 0 : i32
    %dma_start3A_50 = arith.constant 0 : i32
    %dma_start3A_51 = tpu.memref_slice %arg2[%dma_start3A_49, %dma_start3A_50] : memref<10112x128xf32, #tpu.memory_space<hbm>> -> memref<10112x128xf32, #tpu.memory_space<hbm>>
    tpu.enqueue_indirect_dma source(%dma_start3A_51 : memref<10112x128xf32, #tpu.memory_space<hbm>>) target(%dma_start3A_45 : memref<64x128xf32, #tpu.memory_space<vmem>>) offsets(%dma_start3A_48 : memref<64xi32, #tpu.memory_space<vmem>>) semaphore(%arg12 : memref<!tpu.dma_semaphore, #tpu.memory_space<semaphore_mem>>)
    %dma_start3A_52 = arith.constant 0 : i32
    %dma_start3A_53 = arith.constant 64 : i32
    %dma_start3A_54 = arith.constant 0 : i32
    %dma_start3A_55 = tpu.memref_slice %arg9[%dma_start3A_53, %dma_start3A_54] : memref<128x128xf32, #tpu.memory_space<vmem>> -> memref<64x128xf32, #tpu.memory_space<vmem>>
    %dma_start3A_56 = arith.constant 64 : i32
    %dma_start3A_57 = tpu.memref_slice %arg7[%dma_start3A_52, %dma_start3A_56] : memref<40x128xi32, #tpu.memory_space<vmem>> -> memref<1x64xi32, #tpu.memory_space<vmem>>
    %dma_start3A_58 = tpu.memref_squeeze %dma_start3A_57 : memref<1x64xi32, #tpu.memory_space<vmem>> -> memref<64xi32, #tpu.memory_space<vmem>>
    %dma_start3A_59 = arith.constant 0 : i32
    %dma_start3A_60 = arith.constant 0 : i32
    %dma_start3A_61 = tpu.memref_slice %arg2[%dma_start3A_59, %dma_start3A_60] : memref<10112x128xf32, #tpu.memory_space<hbm>> -> memref<10112x128xf32, #tpu.memory_space<hbm>>
    tpu.enqueue_indirect_dma source(%dma_start3A_61 : memref<10112x128xf32, #tpu.memory_space<hbm>>) target(%dma_start3A_55 : memref<64x128xf32, #tpu.memory_space<vmem>>) offsets(%dma_start3A_58 : memref<64xi32, #tpu.memory_space<vmem>>) semaphore(%arg12 : memref<!tpu.dma_semaphore, #tpu.memory_space<semaphore_mem>>)
    %scan3A_62 = arith.constant 0 : i32
    %scan3A_63 = arith.constant 0 : i32
    %scan3A_64 = arith.constant 20 : i32
    %scan3A_65 = arith.addi %scan3A_63, %scan3A_64 : i32
    %scan3A_66 = arith.constant 1 : i32
    scf.for %scan3A_75 = %scan3A_63 to %scan3A_65 step %scan3A_66  : i32 {
      %mul3A_76 = arith.constant 2 : i32
      %mul3A_77 = arith.muli %mul3A_76, %scan3A_75 : i32
      %dma_wait3A_78 = arith.constant 0 : i32
      %dma_wait3A_79 = arith.constant 0 : i32
      %dma_wait3A_80 = tpu.memref_slice %arg9[%dma_wait3A_78, %dma_wait3A_79] : memref<128x128xf32, #tpu.memory_space<vmem>> -> memref<64x128xf32, #tpu.memory_space<vmem>>
      %dma_wait3A_81 = arith.constant 0 : i32
      %dma_wait3A_82 = arith.constant 0 : i32
      %dma_wait3A_83 = tpu.memref_slice %arg2[%dma_wait3A_81, %dma_wait3A_82] : memref<10112x128xf32, #tpu.memory_space<hbm>> -> memref<64x128xf32, #tpu.memory_space<hbm>>
      %dma_wait3A_84 = arith.constant 0 : i32
      %dma_wait3A_85 = arith.constant 0 : i32
      %dma_wait3A_86 = tpu.memref_slice %arg9[%dma_wait3A_84, %dma_wait3A_85] : memref<128x128xf32, #tpu.memory_space<vmem>> -> memref<64x128xf32, #tpu.memory_space<vmem>>
      %dma_wait3A_87 = arith.constant 0 : i32
      %dma_wait3A_88 = arith.constant 0 : i32
      %dma_wait3A_89 = tpu.memref_slice %arg2[%dma_wait3A_87, %dma_wait3A_88] : memref<10112x128xf32, #tpu.memory_space<hbm>> -> memref<64x128xf32, #tpu.memory_space<hbm>>
      tpu.wait_dma2 semaphore(%arg12 : memref<!tpu.dma_semaphore, #tpu.memory_space<semaphore_mem>>) src(%dma_wait3A_89 : memref<64x128xf32, #tpu.memory_space<hbm>>) dst(%dma_wait3A_86 : memref<64x128xf32, #tpu.memory_space<vmem>>)
      %dma_wait3A_90 = arith.constant 0 : i32
      %dma_wait3A_91 = arith.constant 0 : i32
      %dma_wait3A_92 = tpu.memref_slice %arg9[%dma_wait3A_90, %dma_wait3A_91] : memref<128x128xf32, #tpu.memory_space<vmem>> -> memref<64x128xf32, #tpu.memory_space<vmem>>
      %dma_wait3A_93 = arith.constant 0 : i32
      %dma_wait3A_94 = arith.constant 0 : i32
      %dma_wait3A_95 = tpu.memref_slice %arg2[%dma_wait3A_93, %dma_wait3A_94] : memref<10112x128xf32, #tpu.memory_space<hbm>> -> memref<64x128xf32, #tpu.memory_space<hbm>>
      %dma_wait3A_96 = arith.constant 0 : i32
      %dma_wait3A_97 = arith.constant 0 : i32
      %dma_wait3A_98 = tpu.memref_slice %arg9[%dma_wait3A_96, %dma_wait3A_97] : memref<128x128xf32, #tpu.memory_space<vmem>> -> memref<64x128xf32, #tpu.memory_space<vmem>>
      %dma_wait3A_99 = arith.constant 0 : i32
      %dma_wait3A_100 = arith.constant 0 : i32
      %dma_wait3A_101 = tpu.memref_slice %arg2[%dma_wait3A_99, %dma_wait3A_100] : memref<10112x128xf32, #tpu.memory_space<hbm>> -> memref<64x128xf32, #tpu.memory_space<hbm>>
      tpu.wait_dma2 semaphore(%arg12 : memref<!tpu.dma_semaphore, #tpu.memory_space<semaphore_mem>>) src(%dma_wait3A_101 : memref<64x128xf32, #tpu.memory_space<hbm>>) dst(%dma_wait3A_98 : memref<64x128xf32, #tpu.memory_space<vmem>>)
      %gt3A = arith.constant 0 : i32
      %gt3A_102 = arith.cmpi sgt, %scan3A_75, %gt3A : i32
      %convert_element_type3A = arith.extui %gt3A_102 : i1 to i32
      %cond3A = arith.constant 0 : i32
      %cond3A_103 = arith.cmpi ne, %convert_element_type3A, %cond3A : i32
      scf.if %cond3A_103 {
        %dma_wait3A_174 = arith.constant 0 : i32
        %dma_wait3A_175 = arith.constant 0 : i32
        %dma_wait3A_176 = tpu.memref_slice %arg11[%dma_wait3A_174, %dma_wait3A_175] : memref<10112x128xf32, #tpu.memory_space<vmem_shared>> -> memref<128x128xf32, #tpu.memory_space<vmem_shared>>
        %dma_wait3A_177 = arith.constant 0 : i32
        %dma_wait3A_178 = arith.constant 0 : i32
        %dma_wait3A_179 = tpu.memref_slice %arg11[%dma_wait3A_177, %dma_wait3A_178] : memref<10112x128xf32, #tpu.memory_space<vmem_shared>> -> memref<128x128xf32, #tpu.memory_space<vmem_shared>>
        tpu.wait_dma2 semaphore(%arg15 : memref<!tpu.dma_semaphore, #tpu.memory_space<semaphore_mem>>) src(%arg10 : memref<128x128xf32, #tpu.memory_space<vmem>>) dst(%dma_wait3A_179 : memref<128x128xf32, #tpu.memory_space<vmem_shared>>)
      } else {
      }
      %add3A_104 = arith.constant 1 : i32
      %add3A_105 = arith.addi %mul3A_77, %add3A_104 : i32
      %dma_start3A_106 = arith.constant 0 : i32
      %dma_start3A_107 = arith.constant 0 : i32
      %dma_start3A_108 = tpu.memref_slice %arg10[%dma_start3A_106, %dma_start3A_107] : memref<128x128xf32, #tpu.memory_space<vmem>> -> memref<64x128xf32, #tpu.memory_space<vmem>>
      %dma_start3A_109 = arith.constant 0 : i32
      %dma_start3A_110 = tpu.memref_slice %arg7[%add3A_105, %dma_start3A_109] : memref<40x128xi32, #tpu.memory_space<vmem>> -> memref<1x64xi32, #tpu.memory_space<vmem>>
      %dma_start3A_111 = tpu.memref_squeeze %dma_start3A_110 : memref<1x64xi32, #tpu.memory_space<vmem>> -> memref<64xi32, #tpu.memory_space<vmem>>
      %dma_start3A_112 = arith.constant 0 : i32
      %dma_start3A_113 = arith.constant 0 : i32
      %dma_start3A_114 = tpu.memref_slice %arg2[%dma_start3A_112, %dma_start3A_113] : memref<10112x128xf32, #tpu.memory_space<hbm>> -> memref<10112x128xf32, #tpu.memory_space<hbm>>
      tpu.enqueue_indirect_dma source(%dma_start3A_114 : memref<10112x128xf32, #tpu.memory_space<hbm>>) target(%dma_start3A_108 : memref<64x128xf32, #tpu.memory_space<vmem>>) offsets(%dma_start3A_111 : memref<64xi32, #tpu.memory_space<vmem>>) semaphore(%arg13 : memref<!tpu.dma_semaphore, #tpu.memory_space<semaphore_mem>>)
      %dma_start3A_115 = arith.constant 64 : i32
      %dma_start3A_116 = arith.constant 0 : i32
      %dma_start3A_117 = tpu.memref_slice %arg10[%dma_start3A_115, %dma_start3A_116] : memref<128x128xf32, #tpu.memory_space<vmem>> -> memref<64x128xf32, #tpu.memory_space<vmem>>
      %dma_start3A_118 = arith.constant 64 : i32
      %dma_start3A_119 = tpu.memref_slice %arg7[%add3A_105, %dma_start3A_118] : memref<40x128xi32, #tpu.memory_space<vmem>> -> memref<1x64xi32, #tpu.memory_space<vmem>>
      %dma_start3A_120 = tpu.memref_squeeze %dma_start3A_119 : memref<1x64xi32, #tpu.memory_space<vmem>> -> memref<64xi32, #tpu.memory_space<vmem>>
      %dma_start3A_121 = arith.constant 0 : i32
      %dma_start3A_122 = arith.constant 0 : i32
      %dma_start3A_123 = tpu.memref_slice %arg2[%dma_start3A_121, %dma_start3A_122] : memref<10112x128xf32, #tpu.memory_space<hbm>> -> memref<10112x128xf32, #tpu.memory_space<hbm>>
      tpu.enqueue_indirect_dma source(%dma_start3A_123 : memref<10112x128xf32, #tpu.memory_space<hbm>>) target(%dma_start3A_117 : memref<64x128xf32, #tpu.memory_space<vmem>>) offsets(%dma_start3A_120 : memref<64xi32, #tpu.memory_space<vmem>>) semaphore(%arg13 : memref<!tpu.dma_semaphore, #tpu.memory_space<semaphore_mem>>)
      %dma_start3A_124 = arith.constant 0 : i32
      %dma_start3A_125 = tpu.memref_slice %arg8[%mul3A_77, %dma_start3A_124] : memref<40x128xi32, #tpu.memory_space<vmem>> -> memref<1x128xi32, #tpu.memory_space<vmem>>
      %dma_start3A_126 = tpu.memref_squeeze %dma_start3A_125 : memref<1x128xi32, #tpu.memory_space<vmem>> -> memref<128xi32, #tpu.memory_space<vmem>>
      %dma_start3A_127 = arith.constant 0 : i32
      %dma_start3A_128 = arith.constant 0 : i32
      %dma_start3A_129 = tpu.memref_slice %arg11[%dma_start3A_127, %dma_start3A_128] : memref<10112x128xf32, #tpu.memory_space<vmem_shared>> -> memref<10112x128xf32, #tpu.memory_space<vmem_shared>>
      tpu.enqueue_indirect_dma source(%arg9 : memref<128x128xf32, #tpu.memory_space<vmem>>) target(%dma_start3A_129 : memref<10112x128xf32, #tpu.memory_space<vmem_shared>>) offsets(%dma_start3A_126 : memref<128xi32, #tpu.memory_space<vmem>>) semaphore(%arg14 : memref<!tpu.dma_semaphore, #tpu.memory_space<semaphore_mem>>) {add = true}
      %dma_wait3A_130 = arith.constant 0 : i32
      %dma_wait3A_131 = arith.constant 0 : i32
      %dma_wait3A_132 = tpu.memref_slice %arg10[%dma_wait3A_130, %dma_wait3A_131] : memref<128x128xf32, #tpu.memory_space<vmem>> -> memref<64x128xf32, #tpu.memory_space<vmem>>
      %dma_wait3A_133 = arith.constant 0 : i32
      %dma_wait3A_134 = arith.constant 0 : i32
      %dma_wait3A_135 = tpu.memref_slice %arg2[%dma_wait3A_133, %dma_wait3A_134] : memref<10112x128xf32, #tpu.memory_space<hbm>> -> memref<64x128xf32, #tpu.memory_space<hbm>>
      %dma_wait3A_136 = arith.constant 0 : i32
      %dma_wait3A_137 = arith.constant 0 : i32
      %dma_wait3A_138 = tpu.memref_slice %arg10[%dma_wait3A_136, %dma_wait3A_137] : memref<128x128xf32, #tpu.memory_space<vmem>> -> memref<64x128xf32, #tpu.memory_space<vmem>>
      %dma_wait3A_139 = arith.constant 0 : i32
      %dma_wait3A_140 = arith.constant 0 : i32
      %dma_wait3A_141 = tpu.memref_slice %arg2[%dma_wait3A_139, %dma_wait3A_140] : memref<10112x128xf32, #tpu.memory_space<hbm>> -> memref<64x128xf32, #tpu.memory_space<hbm>>
      tpu.wait_dma2 semaphore(%arg13 : memref<!tpu.dma_semaphore, #tpu.memory_space<semaphore_mem>>) src(%dma_wait3A_141 : memref<64x128xf32, #tpu.memory_space<hbm>>) dst(%dma_wait3A_138 : memref<64x128xf32, #tpu.memory_space<vmem>>)
      %dma_wait3A_142 = arith.constant 0 : i32
      %dma_wait3A_143 = arith.constant 0 : i32
      %dma_wait3A_144 = tpu.memref_slice %arg10[%dma_wait3A_142, %dma_wait3A_143] : memref<128x128xf32, #tpu.memory_space<vmem>> -> memref<64x128xf32, #tpu.memory_space<vmem>>
      %dma_wait3A_145 = arith.constant 0 : i32
      %dma_wait3A_146 = arith.constant 0 : i32
      %dma_wait3A_147 = tpu.memref_slice %arg2[%dma_wait3A_145, %dma_wait3A_146] : memref<10112x128xf32, #tpu.memory_space<hbm>> -> memref<64x128xf32, #tpu.memory_space<hbm>>
      %dma_wait3A_148 = arith.constant 0 : i32
      %dma_wait3A_149 = arith.constant 0 : i32
      %dma_wait3A_150 = tpu.memref_slice %arg10[%dma_wait3A_148, %dma_wait3A_149] : memref<128x128xf32, #tpu.memory_space<vmem>> -> memref<64x128xf32, #tpu.memory_space<vmem>>
      %dma_wait3A_151 = arith.constant 0 : i32
      %dma_wait3A_152 = arith.constant 0 : i32
      %dma_wait3A_153 = tpu.memref_slice %arg2[%dma_wait3A_151, %dma_wait3A_152] : memref<10112x128xf32, #tpu.memory_space<hbm>> -> memref<64x128xf32, #tpu.memory_space<hbm>>
      tpu.wait_dma2 semaphore(%arg13 : memref<!tpu.dma_semaphore, #tpu.memory_space<semaphore_mem>>) src(%dma_wait3A_153 : memref<64x128xf32, #tpu.memory_space<hbm>>) dst(%dma_wait3A_150 : memref<64x128xf32, #tpu.memory_space<vmem>>)
      %dma_wait3A_154 = arith.constant 0 : i32
      %dma_wait3A_155 = arith.constant 0 : i32
      %dma_wait3A_156 = tpu.memref_slice %arg11[%dma_wait3A_154, %dma_wait3A_155] : memref<10112x128xf32, #tpu.memory_space<vmem_shared>> -> memref<128x128xf32, #tpu.memory_space<vmem_shared>>
      %dma_wait3A_157 = arith.constant 0 : i32
      %dma_wait3A_158 = arith.constant 0 : i32
      %dma_wait3A_159 = tpu.memref_slice %arg11[%dma_wait3A_157, %dma_wait3A_158] : memref<10112x128xf32, #tpu.memory_space<vmem_shared>> -> memref<128x128xf32, #tpu.memory_space<vmem_shared>>
      tpu.wait_dma2 semaphore(%arg14 : memref<!tpu.dma_semaphore, #tpu.memory_space<semaphore_mem>>) src(%arg9 : memref<128x128xf32, #tpu.memory_space<vmem>>) dst(%dma_wait3A_159 : memref<128x128xf32, #tpu.memory_space<vmem_shared>>)
      %add3A_160 = arith.constant 2 : i32
      %add3A_161 = arith.addi %mul3A_77, %add3A_160 : i32
      %lt3A = arith.constant 40 : i32
      %lt3A_162 = arith.cmpi slt, %add3A_161, %lt3A : i32
      %convert_element_type3A_163 = arith.extui %lt3A_162 : i1 to i32
      %cond3A_164 = arith.constant 0 : i32
      %cond3A_165 = arith.cmpi ne, %convert_element_type3A_163, %cond3A_164 : i32
      scf.if %cond3A_165 {
        %add3A_174 = arith.constant 2 : i32
        %add3A_175 = arith.addi %mul3A_77, %add3A_174 : i32
        %dma_start3A_176 = arith.constant 0 : i32
        %dma_start3A_177 = arith.constant 0 : i32
        %dma_start3A_178 = tpu.memref_slice %arg9[%dma_start3A_176, %dma_start3A_177] : memref<128x128xf32, #tpu.memory_space<vmem>> -> memref<64x128xf32, #tpu.memory_space<vmem>>
        %dma_start3A_179 = arith.constant 0 : i32
        %dma_start3A_180 = tpu.memref_slice %arg7[%add3A_175, %dma_start3A_179] : memref<40x128xi32, #tpu.memory_space<vmem>> -> memref<1x64xi32, #tpu.memory_space<vmem>>
        %dma_start3A_181 = tpu.memref_squeeze %dma_start3A_180 : memref<1x64xi32, #tpu.memory_space<vmem>> -> memref<64xi32, #tpu.memory_space<vmem>>
        %dma_start3A_182 = arith.constant 0 : i32
        %dma_start3A_183 = arith.constant 0 : i32
        %dma_start3A_184 = tpu.memref_slice %arg2[%dma_start3A_182, %dma_start3A_183] : memref<10112x128xf32, #tpu.memory_space<hbm>> -> memref<10112x128xf32, #tpu.memory_space<hbm>>
        tpu.enqueue_indirect_dma source(%dma_start3A_184 : memref<10112x128xf32, #tpu.memory_space<hbm>>) target(%dma_start3A_178 : memref<64x128xf32, #tpu.memory_space<vmem>>) offsets(%dma_start3A_181 : memref<64xi32, #tpu.memory_space<vmem>>) semaphore(%arg12 : memref<!tpu.dma_semaphore, #tpu.memory_space<semaphore_mem>>)
        %dma_start3A_185 = arith.constant 64 : i32
        %dma_start3A_186 = arith.constant 0 : i32
        %dma_start3A_187 = tpu.memref_slice %arg9[%dma_start3A_185, %dma_start3A_186] : memref<128x128xf32, #tpu.memory_space<vmem>> -> memref<64x128xf32, #tpu.memory_space<vmem>>
        %dma_start3A_188 = arith.constant 64 : i32
        %dma_start3A_189 = tpu.memref_slice %arg7[%add3A_175, %dma_start3A_188] : memref<40x128xi32, #tpu.memory_space<vmem>> -> memref<1x64xi32, #tpu.memory_space<vmem>>
        %dma_start3A_190 = tpu.memref_squeeze %dma_start3A_189 : memref<1x64xi32, #tpu.memory_space<vmem>> -> memref<64xi32, #tpu.memory_space<vmem>>
        %dma_start3A_191 = arith.constant 0 : i32
        %dma_start3A_192 = arith.constant 0 : i32
        %dma_start3A_193 = tpu.memref_slice %arg2[%dma_start3A_191, %dma_start3A_192] : memref<10112x128xf32, #tpu.memory_space<hbm>> -> memref<10112x128xf32, #tpu.memory_space<hbm>>
        tpu.enqueue_indirect_dma source(%dma_start3A_193 : memref<10112x128xf32, #tpu.memory_space<hbm>>) target(%dma_start3A_187 : memref<64x128xf32, #tpu.memory_space<vmem>>) offsets(%dma_start3A_190 : memref<64xi32, #tpu.memory_space<vmem>>) semaphore(%arg12 : memref<!tpu.dma_semaphore, #tpu.memory_space<semaphore_mem>>)
      } else {
      }
      %add3A_166 = arith.constant 1 : i32
      %add3A_167 = arith.addi %mul3A_77, %add3A_166 : i32
      %dma_start3A_168 = arith.constant 0 : i32
      %dma_start3A_169 = tpu.memref_slice %arg8[%add3A_167, %dma_start3A_168] : memref<40x128xi32, #tpu.memory_space<vmem>> -> memref<1x128xi32, #tpu.memory_space<vmem>>
      %dma_start3A_170 = tpu.memref_squeeze %dma_start3A_169 : memref<1x128xi32, #tpu.memory_space<vmem>> -> memref<128xi32, #tpu.memory_space<vmem>>
      %dma_start3A_171 = arith.constant 0 : i32
      %dma_start3A_172 = arith.constant 0 : i32
      %dma_start3A_173 = tpu.memref_slice %arg11[%dma_start3A_171, %dma_start3A_172] : memref<10112x128xf32, #tpu.memory_space<vmem_shared>> -> memref<10112x128xf32, #tpu.memory_space<vmem_shared>>
      tpu.enqueue_indirect_dma source(%arg10 : memref<128x128xf32, #tpu.memory_space<vmem>>) target(%dma_start3A_173 : memref<10112x128xf32, #tpu.memory_space<vmem_shared>>) offsets(%dma_start3A_170 : memref<128xi32, #tpu.memory_space<vmem>>) semaphore(%arg15 : memref<!tpu.dma_semaphore, #tpu.memory_space<semaphore_mem>>) {add = true}
    }
    %scan3A_67 = arith.constant 20 : i32
    %dma_wait3A_68 = arith.constant 0 : i32
    %dma_wait3A_69 = arith.constant 0 : i32
    %dma_wait3A_70 = tpu.memref_slice %arg11[%dma_wait3A_68, %dma_wait3A_69] : memref<10112x128xf32, #tpu.memory_space<vmem_shared>> -> memref<128x128xf32, #tpu.memory_space<vmem_shared>>
    %dma_wait3A_71 = arith.constant 0 : i32
    %dma_wait3A_72 = arith.constant 0 : i32
    %dma_wait3A_73 = tpu.memref_slice %arg11[%dma_wait3A_71, %dma_wait3A_72] : memref<10112x128xf32, #tpu.memory_space<vmem_shared>> -> memref<128x128xf32, #tpu.memory_space<vmem_shared>>
    tpu.wait_dma2 semaphore(%arg15 : memref<!tpu.dma_semaphore, #tpu.memory_space<semaphore_mem>>) src(%arg10 : memref<128x128xf32, #tpu.memory_space<vmem>>) dst(%dma_wait3A_73 : memref<128x128xf32, #tpu.memory_space<vmem_shared>>)
    %barrier3A_74 = arith.constant 0 : index
    tpu.barrier barrier_id(%barrier3A_74)
    "tpu.region"() ({
      %run_scoped3A = tpu.sem_alloc : memref<!tpu.dma_semaphore, #tpu.memory_space<semaphore_mem>>
      %dma_start3A_75 = arith.constant 0 : i32
      %dma_start3A_76 = tpu.memref_slice %arg6[%arg0, %mul3A_2, %dma_start3A_75] : memref<2x10112x128xf32, #tpu.memory_space<hbm>> -> memref<1x632x128xf32, #tpu.memory_space<hbm>>
      %dma_start3A_77 = tpu.memref_squeeze %dma_start3A_76 : memref<1x632x128xf32, #tpu.memory_space<hbm>> -> memref<632x128xf32, #tpu.memory_space<hbm>>
      %dma_start3A_78 = arith.constant 0 : i32
      %dma_start3A_79 = tpu.memref_slice %arg11[%mul3A_2, %dma_start3A_78] : memref<10112x128xf32, #tpu.memory_space<vmem_shared>> -> memref<632x128xf32, #tpu.memory_space<vmem_shared>>
      tpu.enqueue_dma source(%dma_start3A_79 : memref<632x128xf32, #tpu.memory_space<vmem_shared>>) target(%dma_start3A_77 : memref<632x128xf32, #tpu.memory_space<hbm>>) target_semaphore(%run_scoped3A : memref<!tpu.dma_semaphore, #tpu.memory_space<semaphore_mem>>)
      %dma_wait3A_80 = arith.constant 0 : i32
      %dma_wait3A_81 = tpu.memref_slice %arg6[%arg0, %mul3A_2, %dma_wait3A_80] : memref<2x10112x128xf32, #tpu.memory_space<hbm>> -> memref<1x632x128xf32, #tpu.memory_space<hbm>>
      %dma_wait3A_82 = tpu.memref_squeeze %dma_wait3A_81 : memref<1x632x128xf32, #tpu.memory_space<hbm>> -> memref<632x128xf32, #tpu.memory_space<hbm>>
      %dma_wait3A_83 = arith.constant 0 : i32
      %dma_wait3A_84 = tpu.memref_slice %arg11[%mul3A_2, %dma_wait3A_83] : memref<10112x128xf32, #tpu.memory_space<vmem_shared>> -> memref<632x128xf32, #tpu.memory_space<vmem_shared>>
      tpu.wait_dma2 semaphore(%run_scoped3A : memref<!tpu.dma_semaphore, #tpu.memory_space<semaphore_mem>>) src(%dma_wait3A_84 : memref<632x128xf32, #tpu.memory_space<vmem_shared>>) dst(%dma_wait3A_82 : memref<632x128xf32, #tpu.memory_space<hbm>>)
      tpu.yield
    }) : () -> ()
    return
  }
}

module attributes {stable_mosaic.version = 14 : i64} {
  func.func @_tc_mm_body(%arg0: memref<10000x128xf32, #tpu.memory_space<vmem>>, %arg1: memref<128x128xf32, #tpu.memory_space<vmem>>, %arg2: memref<10000x128xf32, #tpu.memory_space<vmem>>) attributes {dimension_semantics = [], scalar_prefetch = 0 : i64, scratch_operands = 0 : i64, tpu.core_type = #tpu.core_type<tc>} {
    %get3A = arith.constant 0 : index
    %get3A_0 = arith.constant 0 : index
    %get3A_1 = vector.load %arg0[%get3A, %get3A_0] : memref<10000x128xf32, #tpu.memory_space<vmem>>, vector<10000x128xf32>
    %get3A_2 = arith.constant 0 : index
    %get3A_3 = arith.constant 0 : index
    %get3A_4 = vector.load %arg1[%get3A_2, %get3A_3] : memref<128x128xf32, #tpu.memory_space<vmem>>, vector<128x128xf32>
    %dot_general3A = arith.constant dense<0.000000e+00> : vector<10000x128xf32>
    %dot_general3A_5 = tpu.matmul %get3A_1, %get3A_4, %dot_general3A {dimension_numbers = #tpu.dot_dimension_numbers<[1], [0], [0], [1], [0, 0, 1, 1], [], []>, transpose_lhs_hint = false} : vector<10000x128xf32>, vector<128x128xf32>, vector<10000x128xf32> -> vector<10000x128xf32>
    %swap3A = arith.constant 0 : index
    %swap3A_6 = arith.constant 0 : index
    %swap3A_7 = vector.load %arg2[%swap3A, %swap3A_6] : memref<10000x128xf32, #tpu.memory_space<vmem>>, vector<10000x128xf32>
    tpu.vector_store %arg2[%swap3A, %swap3A_6], %dot_general3A_5 {strides = array<i32>} : memref<10000x128xf32, #tpu.memory_space<vmem>>, vector<10000x128xf32>,
    return
  }
}

module attributes {stable_mosaic.version = 14 : i64} {
  func.func @_tc_scale_body(%arg0: memref<10000x128xf32, #tpu.memory_space<vmem>>, %arg1: memref<2x10240xf32, #tpu.memory_space<vmem>>, %arg2: memref<10112x128xf32, #tpu.memory_space<vmem>>) attributes {dimension_semantics = [], scalar_prefetch = 0 : i64, scratch_operands = 0 : i64, tpu.core_type = #tpu.core_type<tc>} {
    %get3A = arith.constant 0 : index
    %get3A_0 = arith.constant 0 : index
    %get3A_1 = vector.load %arg0[%get3A, %get3A_0] : memref<10000x128xf32, #tpu.memory_space<vmem>>, vector<10000x128xf32>
    %get3A_2 = arith.constant 0 : index
    %get3A_3 = arith.constant 0 : index
    %get3A_4 = vector.load %arg1[%get3A_2, %get3A_3] : memref<2x10240xf32, #tpu.memory_space<vmem>>, vector<2x10000xf32>
    %slice3A = vector.extract_strided_slice %get3A_4 {offsets = [0, 0], sizes = [1, 10000], strides = [1, 1]} : vector<2x10000xf32> to vector<1x10000xf32>
    %slice3A_5 = vector.extract_strided_slice %get3A_4 {offsets = [1, 0], sizes = [1, 10000], strides = [1, 1]} : vector<2x10000xf32> to vector<1x10000xf32>
    %add3A = arith.addf %slice3A, %slice3A_5 : vector<1x10000xf32>
    %add3A_6 = arith.constant 1.000000e+00 : f32
    %add3A_7 = vector.broadcast %add3A_6 : f32 to vector<1x10000xf32>
    %add3A_8 = arith.addf %add3A, %add3A_7 : vector<1x10000xf32>
    %transpose3A = tpu.transpose %add3A_8, [1, 0] : vector<1x10000xf32> -> vector<10000x1xf32>
    %rsqrt3A = math.rsqrt %transpose3A : vector<10000x1xf32>
    %mul3A = vector.broadcast %rsqrt3A : vector<10000x1xf32> to vector<10000x128xf32>
    %mul3A_9 = arith.mulf %get3A_1, %mul3A : vector<10000x128xf32>
    %swap3A = arith.constant 0 : index
    %swap3A_10 = arith.constant 0 : index
    %swap3A_11 = vector.load %arg2[%swap3A, %swap3A_10] : memref<10112x128xf32, #tpu.memory_space<vmem>>, vector<10000x128xf32>
    tpu.vector_store %arg2[%swap3A, %swap3A_10], %mul3A_9 {strides = array<i32>} : memref<10112x128xf32, #tpu.memory_space<vmem>>, vector<10000x128xf32>,
    %broadcast_in_dim3A = arith.constant 0.000000e+00 : f32
    %broadcast_in_dim3A_12 = vector.broadcast %broadcast_in_dim3A : f32 to vector<112x128xf32>
    %swap3A_13 = arith.constant 10000 : index
    %swap3A_14 = arith.constant 0 : index
    %swap3A_15 = vector.load %arg2[%swap3A_13, %swap3A_14] : memref<10112x128xf32, #tpu.memory_space<vmem>>, vector<112x128xf32>
    tpu.vector_store %arg2[%swap3A_13, %swap3A_14], %broadcast_in_dim3A_12 {strides = array<i32>} : memref<10112x128xf32, #tpu.memory_space<vmem>>, vector<112x128xf32>,
    return
  }
}

module attributes {stable_mosaic.version = 14 : i64} {
  func.func @_tc_fin_body(%arg0: memref<2x10112x128xf32, #tpu.memory_space<vmem>>, %arg1: memref<10112x128xf32, #tpu.memory_space<vmem>>, %arg2: memref<2x10240xf32, #tpu.memory_space<vmem>>, %arg3: memref<1x128xf32, #tpu.memory_space<vmem>>, %arg4: memref<1x128xf32, #tpu.memory_space<vmem>>, %arg5: memref<1x128xf32, #tpu.memory_space<vmem>>, %arg6: memref<10000x128xf32, #tpu.memory_space<vmem>>) attributes {dimension_semantics = [], scalar_prefetch = 0 : i64, scratch_operands = 0 : i64, tpu.core_type = #tpu.core_type<tc>} {
    %get3A = arith.constant 0 : index
    %get3A_0 = arith.constant 0 : index
    %get3A_1 = vector.load %arg2[%get3A, %get3A_0] : memref<2x10240xf32, #tpu.memory_space<vmem>>, vector<2x10000xf32>
    %slice3A = vector.extract_strided_slice %get3A_1 {offsets = [0, 0], sizes = [1, 10000], strides = [1, 1]} : vector<2x10000xf32> to vector<1x10000xf32>
    %slice3A_2 = vector.extract_strided_slice %get3A_1 {offsets = [1, 0], sizes = [1, 10000], strides = [1, 1]} : vector<2x10000xf32> to vector<1x10000xf32>
    %add3A = arith.addf %slice3A, %slice3A_2 : vector<1x10000xf32>
    %add3A_3 = arith.constant 1.000000e+00 : f32
    %add3A_4 = vector.broadcast %add3A_3 : f32 to vector<1x10000xf32>
    %add3A_5 = arith.addf %add3A, %add3A_4 : vector<1x10000xf32>
    %transpose3A = tpu.transpose %add3A_5, [1, 0] : vector<1x10000xf32> -> vector<10000x1xf32>
    %rsqrt3A = math.rsqrt %transpose3A : vector<10000x1xf32>
    %get3A_6 = arith.constant 0 : index
    %get3A_7 = arith.constant 0 : index
    %get3A_8 = arith.constant 0 : index
    %get3A_9 = vector.load %arg0[%get3A_6, %get3A_7, %get3A_8] : memref<2x10112x128xf32, #tpu.memory_space<vmem>>, vector<1x10000x128xf32>
    %get3A_10 = vector.shape_cast %get3A_9 : vector<1x10000x128xf32> to vector<10000x128xf32>
    %get3A_11 = arith.constant 1 : index
    %get3A_12 = arith.constant 0 : index
    %get3A_13 = arith.constant 0 : index
    %get3A_14 = vector.load %arg0[%get3A_11, %get3A_12, %get3A_13] : memref<2x10112x128xf32, #tpu.memory_space<vmem>>, vector<1x10000x128xf32>
    %get3A_15 = vector.shape_cast %get3A_14 : vector<1x10000x128xf32> to vector<10000x128xf32>
    %add3A_16 = arith.addf %get3A_10, %get3A_15 : vector<10000x128xf32>
    %get3A_17 = arith.constant 0 : index
    %get3A_18 = arith.constant 0 : index
    %get3A_19 = vector.load %arg1[%get3A_17, %get3A_18] : memref<10112x128xf32, #tpu.memory_space<vmem>>, vector<10000x128xf32>
    %add3A_20 = arith.addf %add3A_16, %get3A_19 : vector<10000x128xf32>
    %mul3A = vector.broadcast %rsqrt3A : vector<10000x1xf32> to vector<10000x128xf32>
    %mul3A_21 = arith.mulf %add3A_20, %mul3A : vector<10000x128xf32>
    %get3A_22 = arith.constant 0 : index
    %get3A_23 = arith.constant 0 : index
    %get3A_24 = vector.load %arg3[%get3A_22, %get3A_23] : memref<1x128xf32, #tpu.memory_space<vmem>>, vector<1x128xf32>
    %add3A_25 = vector.broadcast %get3A_24 : vector<1x128xf32> to vector<10000x128xf32>
    %add3A_26 = arith.addf %mul3A_21, %add3A_25 : vector<10000x128xf32>
    %reduce_sum3A = arith.constant dense<0.000000e+00> : vector<10000xf32>
    %reduce_sum3A_27 = vector.multi_reduction <add>, %add3A_26, %reduce_sum3A [1] : vector<10000x128xf32> to vector<10000xf32>
    %broadcast_in_dim3A = vector.shape_cast %reduce_sum3A_27 : vector<10000xf32> to vector<10000x1xf32>
    %div3A = arith.constant 1.280000e+02 : f32
    %div3A_28 = vector.broadcast %div3A : f32 to vector<10000x1xf32>
    %div3A_29 = arith.divf %broadcast_in_dim3A, %div3A_28 : vector<10000x1xf32>
    %sub3A = vector.broadcast %div3A_29 : vector<10000x1xf32> to vector<10000x128xf32>
    %sub3A_30 = arith.subf %add3A_26, %sub3A : vector<10000x128xf32>
    %mul3A_31 = arith.mulf %sub3A_30, %sub3A_30 : vector<10000x128xf32>
    %reduce_sum3A_32 = arith.constant dense<0.000000e+00> : vector<10000xf32>
    %reduce_sum3A_33 = vector.multi_reduction <add>, %mul3A_31, %reduce_sum3A_32 [1] : vector<10000x128xf32> to vector<10000xf32>
    %broadcast_in_dim3A_34 = vector.shape_cast %reduce_sum3A_33 : vector<10000xf32> to vector<10000x1xf32>
    %div3A_35 = arith.constant 1.280000e+02 : f32
    %div3A_36 = vector.broadcast %div3A_35 : f32 to vector<10000x1xf32>
    %div3A_37 = arith.divf %broadcast_in_dim3A_34, %div3A_36 : vector<10000x1xf32>
    %add3A_38 = arith.constant 9.99999974E-6 : f32
    %add3A_39 = vector.broadcast %add3A_38 : f32 to vector<10000x1xf32>
    %add3A_40 = arith.addf %div3A_37, %add3A_39 : vector<10000x1xf32>
    %rsqrt3A_41 = math.rsqrt %add3A_40 : vector<10000x1xf32>
    %mul3A_42 = vector.broadcast %rsqrt3A_41 : vector<10000x1xf32> to vector<10000x128xf32>
    %mul3A_43 = arith.mulf %sub3A_30, %mul3A_42 : vector<10000x128xf32>
    %get3A_44 = arith.constant 0 : index
    %get3A_45 = arith.constant 0 : index
    %get3A_46 = vector.load %arg4[%get3A_44, %get3A_45] : memref<1x128xf32, #tpu.memory_space<vmem>>, vector<1x128xf32>
    %mul3A_47 = vector.broadcast %get3A_46 : vector<1x128xf32> to vector<10000x128xf32>
    %mul3A_48 = arith.mulf %mul3A_43, %mul3A_47 : vector<10000x128xf32>
    %get3A_49 = arith.constant 0 : index
    %get3A_50 = arith.constant 0 : index
    %get3A_51 = vector.load %arg5[%get3A_49, %get3A_50] : memref<1x128xf32, #tpu.memory_space<vmem>>, vector<1x128xf32>
    %add3A_52 = vector.broadcast %get3A_51 : vector<1x128xf32> to vector<10000x128xf32>
    %add3A_53 = arith.addf %mul3A_48, %add3A_52 : vector<10000x128xf32>
    %tanh3A = math.tanh %add3A_53 : vector<10000x128xf32>
    %swap3A = arith.constant 0 : index
    %swap3A_54 = arith.constant 0 : index
    %swap3A_55 = vector.load %arg6[%swap3A, %swap3A_54] : memref<10000x128xf32, #tpu.memory_space<vmem>>, vector<10000x128xf32>
    tpu.vector_store %arg6[%swap3A, %swap3A_54], %tanh3A {strides = array<i32>} : memref<10000x128xf32, #tpu.memory_space<vmem>>, vector<10000x128xf32>,
    return
  }
}

</mosaic_0001>

<sc_bundles>
// kernel: kernel.10.cloned.1.call-start
scs
__scs_entry_jumppad:
0x0: {  	(pc) =	sbr.rel $0x88, $3  }
0x1: {  	(tag) =	ssettag $0x0;
	lr =	simm.s32 $0x1  }
0x2: {  	[smem:$0x3F9B] =	sst lr;
	_ =	strace $0xD0000000  }
0x3: {  	_ = 	snop  }
0x4: {  	_ = 	snop  }
0x5: {  	_ = 	snop  }
0x6: {  	_ = 	snop  }
0x7: {  	_ = 	snop  }
__scs_overlays_trampoline_lowered:
0x8: {  	[smem:$0x3FAA] =	sst s0  }
0x9: {  	[smem:$0x3FAB] =	sst s1  }
0xa: {  	[smem:$0x3FAC] =	sst s2  }
0xb: {  	[smem:$0x3FAD] =	sst s3  }
0xc: {  	[smem:$0x3FAE] =	sst s4  }
0xd: {  	[smem:$0x3FAF] =	sst s5  }
0xe: {  	[smem:$0x3FB0] =	sst s6  }
0xf: {  	[smem:$0x3FB1] =	sst s7  }
0x10: {  	[smem:$0x3FB2] =	sst s8  }
0x11: {  	[smem:$0x3FB3] =	sst s9;
	s0 =	simm.s32 @!p0 $0x0  }
0x12: {  	s1 =	sld [smem:$0x3F99];
	s0 =	simm.s32 @p0 $0x1  }
0x13: {  	[smem:$0x3FB4] =	sst s0;
	s0 =	simm.s32 @!p1 $0x0  }
0x14: {  	s2 =	sld [smem:$0x3F98];
	s0 =	simm.s32 @p1 $0x1  }
0x15: {  	[smem:$0x3FB5] =	sst s0;
	s0 =	simm.s32 @!p2 $0x0  }
0x16: {  	s3 =	sld [smem:$0x3FDB];
	s0 =	simm.s32 @p2 $0x1  }
0x17: {  	s4 =	simm.s32 $0x1BF5;
	[smem:$0x3FB7] =	sst s0  }
0x18: {  	s0 =	sld [smem:$0x3F9A];
	_ =	swait.ge [sflag:s4], $0x0  }
0x19: {  	s7 =	sld [smem:$0x3F9B]  }
0x1a: {  	s8 =	sadd.s32 $0xFFFFE003, lr  }
0x1b: {  	s9 =	sadd.s32 $0xFFFFFEF7, lr;
	s5 =	simm.s32 $0xFFFFFFFF;
	p2 =	slt.u32 s8, $0xFFFFF086  }
0x1c: {  	p1 =	slt.u32 s9, $0xF7A;
	s5 =	simm.s32 @!p2 $0x0  }
0x1d: {  	s5 =	simm.s32 @p1 $0x1;
	p0 =	seq.s32 s7, s2  }
0x1e: {  	s7 =	smul.u32 @!p0 $0xF7A, s2;
	p2 =	seq.s32 @!p0 s5, $0x0  }
0x1f: {  	s9 =	smul.u32 $0xF7A, s1;
	s8 =	simm.s32 @!p0 $0x1BF5;
	p2 =	por !p2, p0  }
0x20: {  	[sflag:s8] =	ssyncset.s32 @!p0 $0xFFFFF086;
	s6 =	sadd.s32 @!p0 s3, s7;
	s7 =	simm.s32 @!p0 $0x108  }
0x21: {  	s3 =	sadd.s32 s3, s9;
	s6 =	sadd.s32 @!p0 $0x88, s6;
	s7 =	simm.s32 @p2 $0x1082  }
0x22: {  	[simem:s7], [sflag:s8] =	dma.local @!p0 [hbm:s6], $0xF7A  }
0x23: {  	s9 =	sor.u32 $0xD0000000, s2;
	s6 =	simm.s32 $0x108;
	_ =	swait.ge @!p0 [sflag:s8], $0x0  }
0x24: {  	s3 =	sadd.s32 $0x88, s3;
	s6 =	simm.s32 @!p1 $0x1082;
	[sflag:s4] =	ssyncset.s32 $0xFFFFF086  }
0x25: {  	[simem:s6], [sflag:s4] =	dma.local [hbm:s3], $0xF7A  }
0x26: {  	[smem:$0x3F9B] =	sst s1;
	(tag) =	ssettag s2;
	_ =	strace s9  }
0x27: {  	s1 =	sld [smem:$0x3FAB]  }
0x28: {  	s2 =	sld [smem:$0x3FAC]  }
0x29: {  	s4 =	sld [smem:$0x3FAE]  }
0x2a: {  	p0 =	seq.s32 s5, $0x0;
	s5 =	sld [smem:$0x3FAF]  }
0x2b: {  	s6 =	sld [smem:$0x3FB0]  }
0x2c: {  	s7 =	sld [smem:$0x3FB1]  }
0x2d: {  	s3 =	simm.s32 $0x108;
	s8 =	sld [smem:$0x3FB2]  }
0x2e: {  	s3 =	simm.s32 @!p0 $0x1082;
	s9 =	sld [smem:$0x3FB3]  }
0x2f: {  	lr =	sadd.s32 s0, s3;
	s0 =	sld [smem:$0x3FAA]  }
0x30: {  	s3 =	sld [smem:$0x3FAD]  }
0x31: {  	[smem:$0x3FB6] =	sst s10  }
0x32: {  	s10 =	sld [smem:$0x3FB4];
	_ =	sdelay $0x3  }
0x33: {  	p0 =	seq.s32 s10, $0x1;
	s10 =	sld [smem:$0x3FB6];
	_ =	sdelay $0x3  }
0x34: {  	[smem:$0x3FB6] =	sst s10  }
0x35: {  	s10 =	sld [smem:$0x3FB5];
	_ =	sdelay $0x3  }
0x36: {  	p1 =	seq.s32 s10, $0x1;
	s10 =	sld [smem:$0x3FB6];
	_ =	sdelay $0x3  }
0x37: {  	[smem:$0x3FB6] =	sst s10  }
0x38: {  	s10 =	sld [smem:$0x3FB7]  }
0x39: {  	_ = 	snop;
	(pc) =	sbr.ind lr, $3  }
0x3a: {  	_ = 	snop  }
0x3b: {  	_ = 	snop  }
0x3c: {  	p2 =	seq.s32 s10, $0x1;
	s10 =	sld [smem:$0x3FB6]  }
0x3d: {  	_ =	shalt  }
0x3e: {  	_ =	shalt  }
0x3f: {  	_ =	shalt  }
0x40: {  	_ =	shalt  }
0x41: {  	_ =	shalt  }
0x42: {  	_ =	shalt  }
0x43: {  	_ =	shalt  }
0x44: {  	_ =	shalt  }
0x45: {  	_ =	shalt  }
0x46: {  	_ =	shalt  }
0x47: {  	_ =	shalt  }
0x48: {  	_ =	shalt  }
0x49: {  	_ =	shalt  }
0x4a: {  	_ =	shalt  }
0x4b: {  	_ =	shalt  }
0x4c: {  	_ =	shalt  }
0x4d: {  	_ =	shalt  }
0x4e: {  	_ =	shalt  }
0x4f: {  	_ =	shalt  }
0x50: {  	_ =	shalt  }
0x51: {  	_ =	shalt  }
0x52: {  	_ =	shalt  }
0x53: {  	_ =	shalt  }
0x54: {  	_ =	shalt  }
0x55: {  	_ =	shalt  }
0x56: {  	_ =	shalt  }
0x57: {  	_ =	shalt  }
0x58: {  	_ =	shalt  }
0x59: {  	_ =	shalt  }
0x5a: {  	_ =	shalt  }
0x5b: {  	_ =	shalt  }
0x5c: {  	_ =	shalt  }
0x5d: {  	_ =	shalt  }
0x5e: {  	_ =	shalt  }
0x5f: {  	_ =	shalt  }
0x60: {  	_ =	shalt  }
0x61: {  	_ =	shalt  }
0x62: {  	_ =	shalt  }
0x63: {  	_ =	shalt  }
0x64: {  	_ =	shalt  }
0x65: {  	_ =	shalt  }
0x66: {  	_ =	shalt  }
0x67: {  	_ =	shalt  }
0x68: {  	_ =	shalt  }
0x69: {  	_ =	shalt  }
0x6a: {  	_ =	shalt  }
0x6b: {  	_ =	shalt  }
0x6c: {  	_ =	shalt  }
0x6d: {  	_ =	shalt  }
0x6e: {  	_ =	shalt  }
0x6f: {  	_ =	shalt  }
0x70: {  	_ =	shalt  }
0x71: {  	_ =	shalt  }
0x72: {  	_ =	shalt  }
0x73: {  	_ =	shalt  }
0x74: {  	_ =	shalt  }
0x75: {  	_ =	shalt  }
0x76: {  	_ =	shalt  }
0x77: {  	_ =	shalt  }
0x78: {  	_ =	shalt  }
0x79: {  	_ =	shalt  }
0x7a: {  	_ =	shalt  }
0x7b: {  	_ =	shalt  }
0x7c: {  	_ =	shalt  }
0x7d: {  	_ =	shalt  }
0x7e: {  	_ =	shalt  }
0x7f: {  	_ =	shalt  }
0x80: {  	_ =	shalt  }
0x81: {  	_ =	shalt  }
0x82: {  	_ =	shalt  }
0x83: {  	_ =	shalt  }
0x84: {  	_ =	shalt  }
0x85: {  	_ =	shalt  }
0x86: {  	_ =	shalt  }
0x87: {  	_ =	shalt  }
.Lfunc_end0:
.L_simem_size_0:
called_computation.1_lowered:
.L_overlay_start_0:
0x88: {  	s2 =	sld [smem:$0x3FD9]  }
0x89: {  	s3 =	sld [smem:$0x3FFE];
	_ =	sdelay $0x1  }
0x8a: {  	s1 =	srdreg.scid  }
0x8b: {  	s0 =	sand.u32 $0x1, s1  }
0x8c: {  	s14 =	sshll.u32 s0, $0xA;
	s2 =	sadd.s32 s3, s2  }
0x8d: {  	s2 =	sadd.s32 s2, s14  }
0x8e: {  	[smem:$0x3FC2] =	sst s2  }
0x8f: {  	_ = 	snop  }
0x90: {  	s2 =	sld [smem:$0x3FD0];
	_ =	sdelay $0x2  }
0x91: {  	s15 =	simm.s32 $0xA;
	s4 =	simm.s32 $0x10  }
0x92: {  	[smem:s4], [sflag:s15] =	dma.local [hbm:s2], $0x1  }
0x93: {  	_ =	swait.eq [sflag:s15], $0x1  }
0x94: {  	[sflag:s15] =	ssyncset.done $0x0  }
0x95: {  	s16 =	sld [smem:$0x10];
	[sflag:s15] =	ssyncadd.s32 $0xFFFFFFFF  }
0x96: {  	s17 =	sld [smem:$0x11];
	(tm) =	ssettm $0x1  }
0x97: {  	s18 =	sld [smem:$0x3FFB];
	_ =	sdelay $0x3  }
0x98: {  	_ =	strace s18  }
0x99: {  	s4 =	sld [smem:$0x3FFC];
	_ =	sdelay $0x3  }
0x9a: {  	_ =	strace s4  }
0x9b: {  	s4 =	sld [smem:$0x3FFD];
	_ =	sdelay $0x3  }
0x9c: {  	_ =	strace s4  }
0x9d: {  	_ =	strace $0x8FFFFFFF  }
0x9e: {  	s19 =	sld [smem:$0x3FDB];
	_ =	sdelay $0x1  }
0x9f: {  	s5 =	simm.s32 $_scs_section_size  }
0xa0: {  	s6 =	simm.s32 $_size__tile_overlayer_lowered;
	s7 =	simm.s32 $_tile_overlayer_lowered  }
0xa1: {  	s22 =	simm.s32 $0x1BFF;
	s21 =	sshll.u32 s7, $0x1;
	s4 =	sadd.s32 s5, s19  }
0xa2: {  	s8 =	simm.s32 $0x0;
	s20 =	sshll.u32 s6, $0x1;
	s6 =	sadd.s32 s21, s4  }
0xa3: {  	[timem:s8], [sflag:s22] =	dma.local [hbm:s6], s20  }
0xa4: {  	_ =	swait.ge [sflag:s22], s20  }
0xa5: {  	s5 =	ssub.s32 $0x0, s20;
	[sflag:s22] =	ssyncset.done $0x0  }
0xa6: {  	[sflag:s22] =	ssyncadd.s32 s5;
	_ =	sdelay $0x1  }
0xa7: {  	s23 =	simm.s32 $0x1B8B  }
0xa8: {  	_ =	swait.ge [sflag:s23], $0x1  }
0xa9: {  	[sflag:s23] =	ssyncset.done $0x0  }
0xaa: {  	s25 =	simm.s32 $0x1B8E;
	s24 =	sld [smem:$0x3FFE];
	[sflag:s23] =	ssyncadd.s32 $0xFFFFFFFF  }
0xab: {  	s26 =	simm.s32 $execute0_lowered;
	[smem:$0x3FD2] =	sst s25  }
0xac: {  	s6 =	sshll.u32 s26, $0x1;
	_ =	strace $0x80000049;
	[dreg:$0x1] =	wrdreg $0xFFFFFFFF  }
0xad: {  	s28 =	simm.s32 $_size_execute0_lowered;
	s4 =	sadd.s32 s4, s6;
	[dreg:$0x0] =	wrdreg $0x0  }
0xae: {  	s6 =	sshll.u32 s28, $0x1;
	[dreg:$0x2] =	wrdreg s4  }
0xaf: {  	[dreg:$0x3] =	wrdreg s6  }
0xb0: {  	[dreg:$0x4] =	wrdreg $0xC0  }
0xb1: {  	_ =	task [dreg:s8], $0x5FFFF  }
0xb2: {  	[dreg:$0x1] =	wrdreg $0xFFFFFFFF  }
0xb3: {  	[dreg:$0x0] =	wrdreg $0x60  }
0xb4: {  	[dreg:$0x2] =	wrdreg s24  }
0xb5: {  	[dreg:$0x3] =	wrdreg s17  }
0xb6: {  	[dreg:$0x4] =	wrdreg s16  }
0xb7: {  	[dreg:$0x5] =	wrdreg $0xA8000  }
0xb8: {  	[dreg:$0x6] =	wrdreg $0x9  }
0xb9: {  	_ =	task.clear_ibuf [dreg:s8], $0x7FFFF;
	_ =	strace $0x90000049  }
0xba: {  	s29 =	simm.s32 $0x9;
	_ =	strace $0x8000004B  }
0xbb: {  	_ =	swait.ge [sflag:s29], $0x1  }
0xbc: {  	[sflag:s29] =	ssyncadd.s32 $0xFFFFFFFF  }
0xbd: {  	_ =	strace $0x9000004B  }
0xbe: {  	_ =	sfence  }
0xbf: {  	s30 =	sld [smem:$0x0];
	_ =	sdelay $0x2  }
0xc0: {  	s31 =	sshll.u32 s1, $0xD;
	s1 =	sshrl.u32 s1, $0x2  }
0xc1: {  	s3 =	sand.u32 $0x4000, s31;
	s1 =	sadd.s32 s1, s30  }
0xc2: {  	s0 =	sor.u32 s3, s0;
	s1 =	sshll.u32 s1, $0x11  }
0xc3: {  	s0 =	sor.u32 s1, s0  }
0xc4: {  	s0 =	sadd.s32 $0x8F2B, s0  }
0xc5: {  	[sflag:s0] =	ssyncadd.remote.s32 $0x1  }
0xc6: {  	_ =	sfence.sel $0xFFFF  }
0xc7: {  	[dreg:$0x0] =	wrdreg $0xFFFFFFFF;
	(pc) =	sbr.abs _section_cstart, $3  }
0xc8: {  	[dreg:$0x1] =	wrdreg $0xFFFFFFFF  }
0xc9: {  	_ =	task.clear_ibuf [dreg:s8], $0x2FFFF;
	_ =	strace $0x9FFFFFFF  }
0xca: {  	(tm) =	ssettm $0x7FFFFFFF  }
0xcb: {  	_ =	shalt  }
tec
execute0_lowered:
.L_overlay_start_1:
0x0: {  	(tag) =	ssettag $0x1  }
0x1: {  	s0 =	rddreg [dreg:$0x0]  }
0x2: {  	s1 =	rddreg [dreg:$0x1]  }
0x3: {  	s5 =	rddreg [dreg:$0x2];
	s3 =	srdreg.scid  }
0x4: {  	s2 =	rddreg [dreg:$0x3];
	s10 =	stileid.u32;
	s17 =	simm.s32 $0x2800  }
0x5: {  	s18 =	simm.s32 $0x5;
	s28 =	simm.s32 $0x2;
	s29 =	simm.s32 $0x3  }
0x6: {  	s30 =	simm.s32 $0x100;
	s31 =	simm.s32 $0x140;
	s7 =	smul.u32 $0x13C00, s10  }
0x7: {  	s6 =	sand.u32 $0x1, s3;
	s3 =	simm.s32 $0x0;
	s8 =	smul.u32 $0x4F000, s10  }
0x8: {  	s9 =	sadd.s32 $0x29800, s0;
	s4 =	smul.u32 $0x13C000, s6;
	[smem:$0x7FF] =	sst s3  }
0x9: {  	s19 =	sshll.u32 s6, $0x4;
	s20 =	ssub.s32 $0x2, s6;
	_ =	strace $0x8000004A  }
0xa: {  	[dreg:$0x5] =	wrdreg s9;
	s21 =	sshrl.u32 s8, $0x2;
	s22 =	sshrl.u32 s20, $0x1  }
0xb: {  	s7 =	sadd.s32 s7, s4;
	s4 =	sadd.s32 $0x2000, s0;
	s6 =	sadd.s32 s21, s2  }
0xc: {  	s8 =	ssub.s32 s20, s22;
	s20 =	simm.s32 $0x40;
	s21 =	simm.s32 $0x4800  }
0xd: {  	s22 =	simm.s32 $0x1;
	s7 =	sshrl.u32 s7, $0x3;
	s23 =	sadd.s32 $0x4000, s6  }
0xe: {  	s24 =	sadd.s32 $0x8000, s6;
	s25 =	sadd.s32 $0xC000, s6;
	[dreg:$0x6] =	wrdreg s23  }
0xf: {  	s26 =	sadd.s32 $0x10000, s6;
	s16 =	smax.u32 s8, $0x1;
	[dreg:$0x7] =	wrdreg s24  }
0x10: {  	s0 =	sadd.s32 s7, s0;
	s7 =	sor.u32 s10, s19;
	[dreg:$0x8] =	wrdreg s25  }
0x11: {  	[dreg:$0x9] =	wrdreg s26;
	s19 =	simm.s32 $0x1400;
	s7 =	smul.u32 $0x2800, s7  }
.Ltmp0:
0x12: {  	s23 =	simm.s32 $0x80;
	s24 =	simm.s32 $0x6800;
	(pc) =	sbr.rel .LBB2_1-.Ltmp0, $4  }
0x13: {  	s25 =	simm.s32 $0xC0;
	s26 =	simm.s32 $0x8800;
	s7 =	sshrl.u32 s7, $0x3  }
0x14: {  	s11 =	sadd.s32 s1, s7;
	s12 =	sadd.s32 s5, s7;
	s7 =	sadd.s32 $0x280, s7  }
0x15: {  	s15 =	sadd.s32 $0x2A000, s0;
	s0 =	simm.s32 $0x1480;
	s13 =	sadd.s32 s1, s7  }
0x16: {  	s14 =	sadd.s32 s5, s7;
	s1 =	simm.s32 $0x4;
	s5 =	simm.s32 $0x0  }
.LBB2_7:
0x17: {  	[spmem:s2] =	stream.indirect.scatter.add.f32 [tilespmem:s24], [sflag:$0x4], $0x80, s9, s23, $0xb8;
	[tilespmem:$0x1E400] =	vst v63  }
0x18: {  	s7 =	stileid.u32;
	_ =	swait.ge [sflag:s1], $0x4000  }
0x19: {  	s8 =	sshrl.u32 s6, $0x3;
	s5 =	sadd.s32 $0x1, s5;
	[sflag:s1] =	ssyncset.done $0x0  }
0x1a: {  	s7 =	sshll.u32 s7, $0x6;
	p0 =	sne.s32 s5, s16;
	[sflag:s1] =	ssyncadd.s32 $0xFFFFC000  }
.Ltmp1:
0x1b: {  	s7 =	sor.u32 $0x1C05, s7;
	[bflag:$0x0] =	sbarrier.arrive $0xFFFF;
	(pc) =	sbr.rel @!p0 .LBB2_8-.Ltmp1, $4  }
0x1c: {  	[hbm:s15], [sflag:s7] =	dma.local [spmem:s8], $0x2780  }
0x1d: {  	_ =	swait.ge [sflag:s18], $0x2780  }
0x1e: {  	[sflag:s18] =	ssyncset.done $0x0  }
0x1f: {  	[sflag:s18] =	ssyncadd.s32 $0xFFFFD880  }
.LBB2_1:
0x20: {  	s7 =	rddreg [dreg:$0x5]  }
0x21: {  	[tilespmem:s17], [sflag:$0x5] =	stream.linear.gather [hbm4b:s7+s3], $0x4000, $0x38;
	[tilespmem:$0x1E400] =	vst v63  }
0x22: {  	_ =	swait.ge [sflag:s18], $0x4000  }
0x23: {  	[sflag:s18] =	ssyncset.done $0x0  }
0x24: {  	[sflag:s18] =	ssyncadd.s32 $0xFFFFC000  }
0x25: {  	[spmem:s6] =	stream.linear.scatter [tilespmem:s17], [sflag:$0x5], $0x4000, $0x38;
	[tilespmem:$0x1E400] =	vst v63  }
0x26: {  	_ =	swait.ge [sflag:s18], $0x4000  }
0x27: {  	[sflag:s18] =	ssyncset.done $0x0  }
0x28: {  	s10 =	rddreg [dreg:$0x6];
	[sflag:s18] =	ssyncadd.s32 $0xFFFFC000  }
0x29: {  	[spmem:s10] =	stream.linear.scatter [tilespmem:s17], [sflag:$0x5], $0x4000, $0x38;
	[tilespmem:$0x1E400] =	vst v63  }
0x2a: {  	_ =	swait.ge [sflag:s18], $0x4000  }
0x2b: {  	[sflag:s18] =	ssyncset.done $0x0  }
0x2c: {  	s8 =	rddreg [dreg:$0x7];
	[sflag:s18] =	ssyncadd.s32 $0xFFFFC000  }
0x2d: {  	[spmem:s8] =	stream.linear.scatter [tilespmem:s17], [sflag:$0x5], $0x4000, $0x38;
	[tilespmem:$0x1E400] =	vst v63  }
0x2e: {  	_ =	swait.ge [sflag:s18], $0x4000  }
0x2f: {  	[sflag:s18] =	ssyncset.done $0x0  }
0x30: {  	s9 =	rddreg [dreg:$0x8];
	[sflag:s18] =	ssyncadd.s32 $0xFFFFC000  }
0x31: {  	[spmem:s9] =	stream.linear.scatter [tilespmem:s17], [sflag:$0x5], $0x4000, $0x38;
	[tilespmem:$0x1E400] =	vst v63  }
0x32: {  	_ =	swait.ge [sflag:s18], $0x4000  }
0x33: {  	[sflag:s18] =	ssyncset.done $0x0  }
0x34: {  	s10 =	rddreg [dreg:$0x9];
	[sflag:s18] =	ssyncadd.s32 $0xFFFFC000  }
0x35: {  	[spmem:s10] =	stream.linear.scatter [tilespmem:s17], [sflag:$0x5], $0x3C00, $0x38;
	[tilespmem:$0x1E400] =	vst v63  }
0x36: {  	_ =	swait.ge [sflag:s18], $0x3C00  }
0x37: {  	[sflag:s18] =	ssyncset.done $0x0  }
0x38: {  	[sflag:s18] =	ssyncadd.s32 $0xFFFFC400  }
0x39: {  	[bflag:$0x0] =	sbarrier.arrive $0xFFFF  }
0x3a: {  	[tilespmem:s3], [sflag:$0x5] =	stream.linear.gather [hbm4b:s11+s3], $0x1400, $0x38;
	[tilespmem:$0x1E400] =	vst v63  }
0x3b: {  	_ =	swait.ge [sflag:s18], $0x1400  }
0x3c: {  	[sflag:s18] =	ssyncset.done $0x0  }
0x3d: {  	[sflag:s18] =	ssyncadd.s32 $0xFFFFEC00  }
0x3e: {  	[tilespmem:s19], [sflag:$0x5] =	stream.linear.gather [hbm4b:s12+s3], $0x1400, $0x38;
	[tilespmem:$0x1E400] =	vst v63  }
0x3f: {  	_ =	swait.ge [sflag:s18], $0x1400  }
0x40: {  	[sflag:s18] =	ssyncset.done $0x0  }
0x41: {  	[sflag:s18] =	ssyncadd.s32 $0xFFFFEC00  }
0x42: {  	[tilespmem:s17], [sflag:$0x1] =	stream.indirect.gather [hbm4b:s4+s20], $0x80, s3, s20, $0xb8;
	[tilespmem:$0x1E400] =	vst v63  }
0x43: {  	_ = 	snop  }
0x44: {  	[tilespmem:s21], [sflag:$0x1] =	stream.indirect.gather [hbm4b:s4+s20], $0x80, s20, s20, $0xb8;
	[tilespmem:$0x1E400] =	vst v63  }
0x45: {  	_ =	swait.ge [sflag:s22], $0x2000  }
0x46: {  	[sflag:s22] =	ssyncset.done $0x0  }
0x47: {  	[sflag:s22] =	ssyncadd.s32 $0xFFFFE000  }
0x48: {  	_ =	swait.ge [sflag:s22], $0x2000  }
0x49: {  	[sflag:s22] =	ssyncset.done $0x0  }
0x4a: {  	[sflag:s22] =	ssyncadd.s32 $0xFFFFE000  }
0x4b: {  	[tilespmem:s24], [sflag:$0x2] =	stream.indirect.gather [hbm4b:s4+s20], $0x80, s23, s20, $0xb8;
	[tilespmem:$0x1E400] =	vst v63  }
0x4c: {  	_ = 	snop  }
0x4d: {  	[tilespmem:s26], [sflag:$0x2] =	stream.indirect.gather [hbm4b:s4+s20], $0x80, s25, s20, $0xb8;
	[tilespmem:$0x1E400] =	vst v63  }
0x4e: {  	_ = 	snop  }
0x4f: {  	[spmem:s2] =	stream.indirect.scatter.add.f32 [tilespmem:s17], [sflag:$0x3], $0x80, s19, s23, $0xb8;
	[tilespmem:$0x1E400] =	vst v63  }
0x50: {  	_ =	swait.ge [sflag:s28], $0x2000  }
0x51: {  	[sflag:s28] =	ssyncset.done $0x0  }
0x52: {  	[sflag:s28] =	ssyncadd.s32 $0xFFFFE000  }
0x53: {  	_ =	swait.ge [sflag:s28], $0x2000  }
0x54: {  	[sflag:s28] =	ssyncset.done $0x0  }
0x55: {  	[sflag:s28] =	ssyncadd.s32 $0xFFFFE000  }
0x56: {  	_ =	swait.ge [sflag:s29], $0x4000  }
0x57: {  	[sflag:s29] =	ssyncset.done $0x0  }
0x58: {  	[sflag:s29] =	ssyncadd.s32 $0xFFFFC000  }
0x59: {  	[tilespmem:s17], [sflag:$0x1] =	stream.indirect.gather [hbm4b:s4+s20], $0x80, s30, s20, $0xb8;
	[tilespmem:$0x1E400] =	vst v63  }
0x5a: {  	_ = 	snop  }
0x5b: {  	[tilespmem:s21], [sflag:$0x1] =	stream.indirect.gather [hbm4b:s4+s20], $0x80, s31, s20, $0xb8;
	[tilespmem:$0x1E400] =	vst v63  }
0x5c: {  	s7 =	simm.s32 $0x0  }
0x5d: {  	[spmem:s2] =	stream.indirect.scatter.add.f32 [tilespmem:s24], [sflag:$0x4], $0x80, s0, s23, $0xb8;
	[tilespmem:$0x1E400] =	vst v63  }
.LBB2_2:
0x5e: {  	_ =	swait.ge [sflag:s22], $0x2000  }
0x5f: {  	[sflag:s22] =	ssyncset.done $0x0  }
0x60: {  	[sflag:s22] =	ssyncadd.s32 $0xFFFFE000  }
0x61: {  	_ =	swait.ge [sflag:s22], $0x2000  }
0x62: {  	[sflag:s22] =	ssyncset.done $0x0  }
0x63: {  	[sflag:s22] =	ssyncadd.s32 $0xFFFFE000  }
0x64: {  	_ =	swait.ge [sflag:s1], $0x4000  }
0x65: {  	s8 =	sshra.s32 s7, $0x2;
	[sflag:s1] =	ssyncset.done $0x0  }
0x66: {  	s9 =	sadd.s32 $0x180, s8;
	[sflag:s1] =	ssyncadd.s32 $0xFFFFC000  }
0x67: {  	[tilespmem:s24], [sflag:$0x2] =	stream.indirect.gather [hbm4b:s4+s20], $0x80, s9, s20, $0xb8;
	[tilespmem:$0x1E400] =	vst v63  }
0x68: {  	s10 =	sadd.s32 $0x1C0, s8  }
0x69: {  	[tilespmem:s26], [sflag:$0x2] =	stream.indirect.gather [hbm4b:s4+s20], $0x80, s10, s20, $0xb8;
	[tilespmem:$0x1E400] =	vst v63  }
0x6a: {  	s10 =	sadd.s32 $0x1500, s8  }
0x6b: {  	[spmem:s2] =	stream.indirect.scatter.add.f32 [tilespmem:s17], [sflag:$0x3], $0x80, s10, s23, $0xb8;
	[tilespmem:$0x1E400] =	vst v63  }
0x6c: {  	_ =	swait.ge [sflag:s28], $0x2000  }
0x6d: {  	[sflag:s28] =	ssyncset.done $0x0  }
0x6e: {  	[sflag:s28] =	ssyncadd.s32 $0xFFFFE000  }
0x6f: {  	p0 =	seq.s32 s7, $0x4800;
	_ =	swait.ge [sflag:s28], $0x2000  }
.Ltmp2:
0x70: {  	[sflag:s28] =	ssyncset.done $0x0;
	(pc) =	sbr.rel @p0 .LBB2_4-.Ltmp2, $4  }
0x71: {  	[sflag:s28] =	ssyncadd.s32 $0xFFFFE000  }
0x72: {  	_ =	swait.ge [sflag:s29], $0x4000  }
0x73: {  	[sflag:s29] =	ssyncset.done $0x0  }
0x74: {  	s9 =	sadd.s32 $0x1580, s8;
	[sflag:s29] =	ssyncadd.s32 $0xFFFFC000  }
0x75: {  	s10 =	sadd.s32 $0x200, s8  }
0x76: {  	[tilespmem:s17], [sflag:$0x1] =	stream.indirect.gather [hbm4b:s4+s20], $0x80, s10, s20, $0xb8;
	[tilespmem:$0x1E400] =	vst v63  }
.Ltmp3:
0x77: {  	_ = 	snop;
	(pc) =	sbr.rel .LBB2_2-.Ltmp3, $4  }
0x78: {  	s10 =	sadd.s32 $0x240, s8  }
0x79: {  	[tilespmem:s21], [sflag:$0x1] =	stream.indirect.gather [hbm4b:s4+s20], $0x80, s10, s20, $0xb8;
	[tilespmem:$0x1E400] =	vst v63  }
0x7a: {  	s7 =	sadd.s32 $0x400, s7  }
0x7b: {  	[spmem:s2] =	stream.indirect.scatter.add.f32 [tilespmem:s24], [sflag:$0x4], $0x80, s9, s23, $0xb8;
	[tilespmem:$0x1E400] =	vst v63  }
.LBB2_4:
0x7c: {  	[spmem:s2] =	stream.indirect.scatter.add.f32 [tilespmem:s24], [sflag:$0x4], $0x80, s9, s23, $0xb8;
	[tilespmem:$0x1E400] =	vst v63  }
0x7d: {  	_ =	swait.ge [sflag:s1], $0x4000  }
0x7e: {  	[sflag:s1] =	ssyncset.done $0x0  }
0x7f: {  	s7 =	simm.s32 $0x0;
	[sflag:s1] =	ssyncadd.s32 $0xFFFFC000  }
0x80: {  	[tilespmem:s7], [sflag:$0x5] =	stream.linear.gather [hbm4b:s13+s7], $0x1400, $0x38;
	[tilespmem:$0x1E400] =	vst v63  }
0x81: {  	_ =	swait.ge [sflag:s18], $0x1400  }
0x82: {  	[sflag:s18] =	ssyncset.done $0x0  }
0x83: {  	[sflag:s18] =	ssyncadd.s32 $0xFFFFEC00  }
0x84: {  	[tilespmem:s19], [sflag:$0x5] =	stream.linear.gather [hbm4b:s14+s7], $0x1400, $0x38;
	[tilespmem:$0x1E400] =	vst v63  }
0x85: {  	_ =	swait.ge [sflag:s18], $0x1400  }
0x86: {  	[sflag:s18] =	ssyncset.done $0x0  }
0x87: {  	[sflag:s18] =	ssyncadd.s32 $0xFFFFEC00  }
0x88: {  	[tilespmem:s17], [sflag:$0x1] =	stream.indirect.gather [hbm4b:s4+s20], $0x80, s7, s20, $0xb8;
	[tilespmem:$0x1E400] =	vst v63  }
0x89: {  	_ = 	snop  }
0x8a: {  	[tilespmem:s21], [sflag:$0x1] =	stream.indirect.gather [hbm4b:s4+s20], $0x80, s20, s20, $0xb8;
	[tilespmem:$0x1E400] =	vst v63  }
0x8b: {  	_ =	swait.ge [sflag:s22], $0x2000  }
0x8c: {  	[sflag:s22] =	ssyncset.done $0x0  }
0x8d: {  	[sflag:s22] =	ssyncadd.s32 $0xFFFFE000  }
0x8e: {  	_ =	swait.ge [sflag:s22], $0x2000  }
0x8f: {  	[sflag:s22] =	ssyncset.done $0x0  }
0x90: {  	[sflag:s22] =	ssyncadd.s32 $0xFFFFE000  }
0x91: {  	[tilespmem:s24], [sflag:$0x2] =	stream.indirect.gather [hbm4b:s4+s20], $0x80, s23, s20, $0xb8;
	[tilespmem:$0x1E400] =	vst v63  }
0x92: {  	_ = 	snop  }
0x93: {  	[tilespmem:s26], [sflag:$0x2] =	stream.indirect.gather [hbm4b:s4+s20], $0x80, s25, s20, $0xb8;
	[tilespmem:$0x1E400] =	vst v63  }
0x94: {  	_ = 	snop  }
0x95: {  	[spmem:s2] =	stream.indirect.scatter.add.f32 [tilespmem:s17], [sflag:$0x3], $0x80, s19, s23, $0xb8;
	[tilespmem:$0x1E400] =	vst v63  }
0x96: {  	_ =	swait.ge [sflag:s28], $0x2000  }
0x97: {  	[sflag:s28] =	ssyncset.done $0x0  }
0x98: {  	[sflag:s28] =	ssyncadd.s32 $0xFFFFE000  }
0x99: {  	_ =	swait.ge [sflag:s28], $0x2000  }
0x9a: {  	[sflag:s28] =	ssyncset.done $0x0  }
0x9b: {  	[sflag:s28] =	ssyncadd.s32 $0xFFFFE000  }
0x9c: {  	_ =	swait.ge [sflag:s29], $0x4000  }
0x9d: {  	[sflag:s29] =	ssyncset.done $0x0  }
0x9e: {  	[sflag:s29] =	ssyncadd.s32 $0xFFFFC000  }
0x9f: {  	[tilespmem:s17], [sflag:$0x1] =	stream.indirect.gather [hbm4b:s4+s20], $0x80, s30, s20, $0xb8;
	[tilespmem:$0x1E400] =	vst v63  }
0xa0: {  	_ = 	snop  }
0xa1: {  	[tilespmem:s21], [sflag:$0x1] =	stream.indirect.gather [hbm4b:s4+s20], $0x80, s31, s20, $0xb8;
	[tilespmem:$0x1E400] =	vst v63  }
0xa2: {  	_ = 	snop  }
0xa3: {  	[spmem:s2] =	stream.indirect.scatter.add.f32 [tilespmem:s24], [sflag:$0x4], $0x80, s0, s23, $0xb8;
	[tilespmem:$0x1E400] =	vst v63  }
.LBB2_5:
0xa4: {  	_ =	swait.ge [sflag:s22], $0x2000  }
0xa5: {  	[sflag:s22] =	ssyncset.done $0x0  }
0xa6: {  	[sflag:s22] =	ssyncadd.s32 $0xFFFFE000  }
0xa7: {  	_ =	swait.ge [sflag:s22], $0x2000  }
0xa8: {  	[sflag:s22] =	ssyncset.done $0x0  }
0xa9: {  	[sflag:s22] =	ssyncadd.s32 $0xFFFFE000  }
0xaa: {  	_ =	swait.ge [sflag:s1], $0x4000  }
0xab: {  	s8 =	sshra.s32 s7, $0x2;
	[sflag:s1] =	ssyncset.done $0x0  }
0xac: {  	s9 =	sadd.s32 $0x180, s8;
	[sflag:s1] =	ssyncadd.s32 $0xFFFFC000  }
0xad: {  	[tilespmem:s24], [sflag:$0x2] =	stream.indirect.gather [hbm4b:s4+s20], $0x80, s9, s20, $0xb8;
	[tilespmem:$0x1E400] =	vst v63  }
0xae: {  	s10 =	sadd.s32 $0x1C0, s8  }
0xaf: {  	[tilespmem:s26], [sflag:$0x2] =	stream.indirect.gather [hbm4b:s4+s20], $0x80, s10, s20, $0xb8;
	[tilespmem:$0x1E400] =	vst v63  }
0xb0: {  	s10 =	sadd.s32 $0x1500, s8  }
0xb1: {  	[spmem:s2] =	stream.indirect.scatter.add.f32 [tilespmem:s17], [sflag:$0x3], $0x80, s10, s23, $0xb8;
	[tilespmem:$0x1E400] =	vst v63  }
0xb2: {  	_ =	swait.ge [sflag:s28], $0x2000  }
0xb3: {  	[sflag:s28] =	ssyncset.done $0x0  }
0xb4: {  	[sflag:s28] =	ssyncadd.s32 $0xFFFFE000  }
0xb5: {  	p0 =	seq.s32 s7, $0x4800;
	_ =	swait.ge [sflag:s28], $0x2000  }
.Ltmp4:
0xb6: {  	[sflag:s28] =	ssyncset.done $0x0;
	(pc) =	sbr.rel @p0 .LBB2_7-.Ltmp4, $4  }
0xb7: {  	[sflag:s28] =	ssyncadd.s32 $0xFFFFE000  }
0xb8: {  	_ =	swait.ge [sflag:s29], $0x4000  }
0xb9: {  	[sflag:s29] =	ssyncset.done $0x0  }
0xba: {  	s9 =	sadd.s32 $0x1580, s8;
	[sflag:s29] =	ssyncadd.s32 $0xFFFFC000  }
0xbb: {  	s10 =	sadd.s32 $0x200, s8  }
0xbc: {  	[tilespmem:s17], [sflag:$0x1] =	stream.indirect.gather [hbm4b:s4+s20], $0x80, s10, s20, $0xb8;
	[tilespmem:$0x1E400] =	vst v63  }
.Ltmp5:
0xbd: {  	_ = 	snop;
	(pc) =	sbr.rel .LBB2_5-.Ltmp5, $4  }
0xbe: {  	s10 =	sadd.s32 $0x240, s8  }
0xbf: {  	[tilespmem:s21], [sflag:$0x1] =	stream.indirect.gather [hbm4b:s4+s20], $0x80, s10, s20, $0xb8;
	[tilespmem:$0x1E400] =	vst v63  }
0xc0: {  	s7 =	sadd.s32 $0x400, s7  }
0xc1: {  	[spmem:s2] =	stream.indirect.scatter.add.f32 [tilespmem:s24], [sflag:$0x4], $0x80, s9, s23, $0xb8;
	[tilespmem:$0x1E400] =	vst v63  }
.LBB2_8:
0xc2: {  	_ =	sfence.sel $0x180000  }
0xc3: {  	[bflag:$0x0] =	sbarrier.arrive $0xFFFF  }
0xc4: {  	_ =	strace $0x9000004A  }
0xc5: {  	s0 =	stileid.u32;
	[bflag:$0x2] =	sbarrier.arrive $0xFFFF  }
0xc6: {  	p0 =	sne.s32 s0, $0x0;
	s0 =	rddreg [dreg:$0x4]  }
0xc7: {  	s0 =	sadd.s32 @!p0 $0x100000, s0  }
0xc8: {  	[sflag:s0] =	ssyncadd.tile.s32 @!p0 $0x1;
	_ =	shalt  }
.Lfunc_end2:
_tile_overlayer_lowered:
.L_overlay_start_2:
0xc9: {  	(tag) =	ssettag $0x2  }
0xca: {  	s0 =	rddreg [dreg:$0x0];
	s2 =	stileid.u32  }
0xcb: {  	s1 =	rddreg [dreg:$0x1];
	p0 =	sne.s32 s2, $0x0  }
0xcc: {  	s3 =	rddreg [dreg:$0x2];
	[bflag:$0x3] =	sbarrier.arrive $0xFFFF;
	s2 =	simm.s32 @!p0 $0x1C05  }
0xcd: {  	[timem:s3], [sflag:s2] =	dma.local @!p0 [hbm:s0], s1  }
0xce: {  	s0 =	simm.s32 @!p0 $0x5  }
0xcf: {  	_ =	swait.ge @!p0 [sflag:s0], s1  }
0xd0: {  	s1 =	ssub.s32 @!p0 $0x0, s1;
	[sflag:s0] =	ssyncset.done @!p0 $0x0  }
0xd1: {  	[sflag:s0] =	ssyncadd.s32 @!p0 s1  }
0xd2: {  	[bflag:$0x3] =	sbarrier.arrive $0xFFFF  }
0xd3: {  	_ =	shalt  }

// kernel: kernel.7.cloned.1.call-start
scs
__scs_entry_jumppad:
0x0: {  	(pc) =	sbr.rel $0x88, $3  }
0x1: {  	(tag) =	ssettag $0x0;
	lr =	simm.s32 $0x1  }
0x2: {  	[smem:$0x3F9B] =	sst lr;
	_ =	strace $0xD0000000  }
0x3: {  	_ = 	snop  }
0x4: {  	_ = 	snop  }
0x5: {  	_ = 	snop  }
0x6: {  	_ = 	snop  }
0x7: {  	_ = 	snop  }
__scs_overlays_trampoline_lowered:
0x8: {  	[smem:$0x3FAA] =	sst s0  }
0x9: {  	[smem:$0x3FAB] =	sst s1  }
0xa: {  	[smem:$0x3FAC] =	sst s2  }
0xb: {  	[smem:$0x3FAD] =	sst s3  }
0xc: {  	[smem:$0x3FAE] =	sst s4  }
0xd: {  	[smem:$0x3FAF] =	sst s5  }
0xe: {  	[smem:$0x3FB0] =	sst s6  }
0xf: {  	[smem:$0x3FB1] =	sst s7  }
0x10: {  	[smem:$0x3FB2] =	sst s8  }
0x11: {  	[smem:$0x3FB3] =	sst s9;
	s0 =	simm.s32 @!p0 $0x0  }
0x12: {  	s1 =	sld [smem:$0x3F99];
	s0 =	simm.s32 @p0 $0x1  }
0x13: {  	[smem:$0x3FB4] =	sst s0;
	s0 =	simm.s32 @!p1 $0x0  }
0x14: {  	s2 =	sld [smem:$0x3F98];
	s0 =	simm.s32 @p1 $0x1  }
0x15: {  	[smem:$0x3FB5] =	sst s0;
	s0 =	simm.s32 @!p2 $0x0  }
0x16: {  	s3 =	sld [smem:$0x3FDB];
	s0 =	simm.s32 @p2 $0x1  }
0x17: {  	s4 =	simm.s32 $0x1BF5;
	[smem:$0x3FB7] =	sst s0  }
0x18: {  	s0 =	sld [smem:$0x3F9A];
	_ =	swait.ge [sflag:s4], $0x0  }
0x19: {  	s7 =	sld [smem:$0x3F9B]  }
0x1a: {  	s8 =	sadd.s32 $0xFFFFE003, lr  }
0x1b: {  	s9 =	sadd.s32 $0xFFFFFEF7, lr;
	s5 =	simm.s32 $0xFFFFFFFF;
	p2 =	slt.u32 s8, $0xFFFFF086  }
0x1c: {  	p1 =	slt.u32 s9, $0xF7A;
	s5 =	simm.s32 @!p2 $0x0  }
0x1d: {  	s5 =	simm.s32 @p1 $0x1;
	p0 =	seq.s32 s7, s2  }
0x1e: {  	s7 =	smul.u32 @!p0 $0xF7A, s2;
	p2 =	seq.s32 @!p0 s5, $0x0  }
0x1f: {  	s9 =	smul.u32 $0xF7A, s1;
	s8 =	simm.s32 @!p0 $0x1BF5;
	p2 =	por !p2, p0  }
0x20: {  	[sflag:s8] =	ssyncset.s32 @!p0 $0xFFFFF086;
	s6 =	sadd.s32 @!p0 s3, s7;
	s7 =	simm.s32 @!p0 $0x108  }
0x21: {  	s3 =	sadd.s32 s3, s9;
	s6 =	sadd.s32 @!p0 $0x88, s6;
	s7 =	simm.s32 @p2 $0x1082  }
0x22: {  	[simem:s7], [sflag:s8] =	dma.local @!p0 [hbm:s6], $0xF7A  }
0x23: {  	s9 =	sor.u32 $0xD0000000, s2;
	s6 =	simm.s32 $0x108;
	_ =	swait.ge @!p0 [sflag:s8], $0x0  }
0x24: {  	s3 =	sadd.s32 $0x88, s3;
	s6 =	simm.s32 @!p1 $0x1082;
	[sflag:s4] =	ssyncset.s32 $0xFFFFF086  }
0x25: {  	[simem:s6], [sflag:s4] =	dma.local [hbm:s3], $0xF7A  }
0x26: {  	[smem:$0x3F9B] =	sst s1;
	(tag) =	ssettag s2;
	_ =	strace s9  }
0x27: {  	s1 =	sld [smem:$0x3FAB]  }
0x28: {  	s2 =	sld [smem:$0x3FAC]  }
0x29: {  	s4 =	sld [smem:$0x3FAE]  }
0x2a: {  	p0 =	seq.s32 s5, $0x0;
	s5 =	sld [smem:$0x3FAF]  }
0x2b: {  	s6 =	sld [smem:$0x3FB0]  }
0x2c: {  	s7 =	sld [smem:$0x3FB1]  }
0x2d: {  	s3 =	simm.s32 $0x108;
	s8 =	sld [smem:$0x3FB2]  }
0x2e: {  	s3 =	simm.s32 @!p0 $0x1082;
	s9 =	sld [smem:$0x3FB3]  }
0x2f: {  	lr =	sadd.s32 s0, s3;
	s0 =	sld [smem:$0x3FAA]  }
0x30: {  	s3 =	sld [smem:$0x3FAD]  }
0x31: {  	[smem:$0x3FB6] =	sst s10  }
0x32: {  	s10 =	sld [smem:$0x3FB4];
	_ =	sdelay $0x3  }
0x33: {  	p0 =	seq.s32 s10, $0x1;
	s10 =	sld [smem:$0x3FB6];
	_ =	sdelay $0x3  }
0x34: {  	[smem:$0x3FB6] =	sst s10  }
0x35: {  	s10 =	sld [smem:$0x3FB5];
	_ =	sdelay $0x3  }
0x36: {  	p1 =	seq.s32 s10, $0x1;
	s10 =	sld [smem:$0x3FB6];
	_ =	sdelay $0x3  }
0x37: {  	[smem:$0x3FB6] =	sst s10  }
0x38: {  	s10 =	sld [smem:$0x3FB7]  }
0x39: {  	_ = 	snop;
	(pc) =	sbr.ind lr, $3  }
0x3a: {  	_ = 	snop  }
0x3b: {  	_ = 	snop  }
0x3c: {  	p2 =	seq.s32 s10, $0x1;
	s10 =	sld [smem:$0x3FB6]  }
0x3d: {  	_ =	shalt  }
0x3e: {  	_ =	shalt  }
0x3f: {  	_ =	shalt  }
0x40: {  	_ =	shalt  }
0x41: {  	_ =	shalt  }
0x42: {  	_ =	shalt  }
0x43: {  	_ =	shalt  }
0x44: {  	_ =	shalt  }
0x45: {  	_ =	shalt  }
0x46: {  	_ =	shalt  }
0x47: {  	_ =	shalt  }
0x48: {  	_ =	shalt  }
0x49: {  	_ =	shalt  }
0x4a: {  	_ =	shalt  }
0x4b: {  	_ =	shalt  }
0x4c: {  	_ =	shalt  }
0x4d: {  	_ =	shalt  }
0x4e: {  	_ =	shalt  }
0x4f: {  	_ =	shalt  }
0x50: {  	_ =	shalt  }
0x51: {  	_ =	shalt  }
0x52: {  	_ =	shalt  }
0x53: {  	_ =	shalt  }
0x54: {  	_ =	shalt  }
0x55: {  	_ =	shalt  }
0x56: {  	_ =	shalt  }
0x57: {  	_ =	shalt  }
0x58: {  	_ =	shalt  }
0x59: {  	_ =	shalt  }
0x5a: {  	_ =	shalt  }
0x5b: {  	_ =	shalt  }
0x5c: {  	_ =	shalt  }
0x5d: {  	_ =	shalt  }
0x5e: {  	_ =	shalt  }
0x5f: {  	_ =	shalt  }
0x60: {  	_ =	shalt  }
0x61: {  	_ =	shalt  }
0x62: {  	_ =	shalt  }
0x63: {  	_ =	shalt  }
0x64: {  	_ =	shalt  }
0x65: {  	_ =	shalt  }
0x66: {  	_ =	shalt  }
0x67: {  	_ =	shalt  }
0x68: {  	_ =	shalt  }
0x69: {  	_ =	shalt  }
0x6a: {  	_ =	shalt  }
0x6b: {  	_ =	shalt  }
0x6c: {  	_ =	shalt  }
0x6d: {  	_ =	shalt  }
0x6e: {  	_ =	shalt  }
0x6f: {  	_ =	shalt  }
0x70: {  	_ =	shalt  }
0x71: {  	_ =	shalt  }
0x72: {  	_ =	shalt  }
0x73: {  	_ =	shalt  }
0x74: {  	_ =	shalt  }
0x75: {  	_ =	shalt  }
0x76: {  	_ =	shalt  }
0x77: {  	_ =	shalt  }
0x78: {  	_ =	shalt  }
0x79: {  	_ =	shalt  }
0x7a: {  	_ =	shalt  }
0x7b: {  	_ =	shalt  }
0x7c: {  	_ =	shalt  }
0x7d: {  	_ =	shalt  }
0x7e: {  	_ =	shalt  }
0x7f: {  	_ =	shalt  }
0x80: {  	_ =	shalt  }
0x81: {  	_ =	shalt  }
0x82: {  	_ =	shalt  }
0x83: {  	_ =	shalt  }
0x84: {  	_ =	shalt  }
0x85: {  	_ =	shalt  }
0x86: {  	_ =	shalt  }
0x87: {  	_ =	shalt  }
.Lfunc_end0:
.L_simem_size_0:
called_computation_lowered:
.L_overlay_start_0:
0x88: {  	s2 =	sld [smem:$0x3FD9]  }
0x89: {  	s3 =	sld [smem:$0x3FFE];
	_ =	sdelay $0x1  }
0x8a: {  	s1 =	srdreg.scid  }
0x8b: {  	s0 =	sand.u32 $0x1, s1  }
0x8c: {  	s14 =	sshll.u32 s0, $0xA;
	s2 =	sadd.s32 s3, s2  }
0x8d: {  	s2 =	sadd.s32 s2, s14  }
0x8e: {  	[smem:$0x3FC2] =	sst s2  }
0x8f: {  	_ = 	snop  }
0x90: {  	s2 =	sld [smem:$0x3FD0];
	_ =	sdelay $0x2  }
0x91: {  	s15 =	simm.s32 $0xA;
	s4 =	simm.s32 $0x10  }
0x92: {  	[smem:s4], [sflag:s15] =	dma.local [hbm:s2], $0x1  }
0x93: {  	_ =	swait.eq [sflag:s15], $0x1  }
0x94: {  	[sflag:s15] =	ssyncset.done $0x0  }
0x95: {  	[sflag:s15] =	ssyncadd.s32 $0xFFFFFFFF  }
0x96: {  	s16 =	sld [smem:$0x10];
	(tm) =	ssettm $0x1  }
0x97: {  	s17 =	sld [smem:$0x3FFB];
	_ =	sdelay $0x3  }
0x98: {  	_ =	strace s17  }
0x99: {  	s3 =	sld [smem:$0x3FFC];
	_ =	sdelay $0x3  }
0x9a: {  	_ =	strace s3  }
0x9b: {  	s3 =	sld [smem:$0x3FFD];
	_ =	sdelay $0x3  }
0x9c: {  	_ =	strace s3  }
0x9d: {  	_ =	strace $0x8FFFFFFF  }
0x9e: {  	s18 =	sld [smem:$0x3FDB];
	_ =	sdelay $0x1  }
0x9f: {  	s19 =	simm.s32 $_scs_section_size  }
0xa0: {  	s5 =	simm.s32 $_size__tile_overlayer_lowered;
	s6 =	simm.s32 $_tile_overlayer_lowered  }
0xa1: {  	s22 =	simm.s32 $0x1BFF;
	s21 =	sshll.u32 s6, $0x1;
	s3 =	sadd.s32 s19, s18  }
0xa2: {  	s7 =	simm.s32 $0x0;
	s20 =	sshll.u32 s5, $0x1;
	s5 =	sadd.s32 s21, s3  }
0xa3: {  	[timem:s7], [sflag:s22] =	dma.local [hbm:s5], s20  }
0xa4: {  	_ =	swait.ge [sflag:s22], s20  }
0xa5: {  	s4 =	ssub.s32 $0x0, s20;
	[sflag:s22] =	ssyncset.done $0x0  }
0xa6: {  	[sflag:s22] =	ssyncadd.s32 s4;
	_ =	sdelay $0x1  }
0xa7: {  	s23 =	simm.s32 $0x1B8B  }
0xa8: {  	_ =	swait.ge [sflag:s23], $0x1  }
0xa9: {  	[sflag:s23] =	ssyncset.done $0x0  }
0xaa: {  	s25 =	simm.s32 $0x1B8E;
	s24 =	sld [smem:$0x3FFE];
	[sflag:s23] =	ssyncadd.s32 $0xFFFFFFFF  }
0xab: {  	s26 =	simm.s32 $execute0_lowered;
	[smem:$0x3FD2] =	sst s25  }
0xac: {  	s5 =	sshll.u32 s26, $0x1;
	_ =	strace $0x80000046;
	[dreg:$0x1] =	wrdreg $0xFFFFFFFF  }
0xad: {  	s28 =	simm.s32 $_size_execute0_lowered;
	s3 =	sadd.s32 s3, s5;
	[dreg:$0x0] =	wrdreg $0x0  }
0xae: {  	s5 =	sshll.u32 s28, $0x1;
	[dreg:$0x2] =	wrdreg s3  }
0xaf: {  	[dreg:$0x3] =	wrdreg s5  }
0xb0: {  	[dreg:$0x4] =	wrdreg $0xC0  }
0xb1: {  	_ =	task [dreg:s7], $0x5FFFF  }
0xb2: {  	[dreg:$0x1] =	wrdreg $0xFFFFFFFF  }
0xb3: {  	[dreg:$0x0] =	wrdreg $0x60  }
0xb4: {  	[dreg:$0x2] =	wrdreg s16  }
0xb5: {  	[dreg:$0x3] =	wrdreg s24  }
0xb6: {  	[dreg:$0x4] =	wrdreg $0x2B000  }
0xb7: {  	[dreg:$0x5] =	wrdreg $0x9  }
0xb8: {  	_ =	task.clear_ibuf [dreg:s7], $0x6FFFF;
	_ =	strace $0x90000046  }
0xb9: {  	s29 =	simm.s32 $0x9;
	_ =	strace $0x80000048  }
0xba: {  	_ =	swait.ge [sflag:s29], $0x1  }
0xbb: {  	[sflag:s29] =	ssyncadd.s32 $0xFFFFFFFF  }
0xbc: {  	_ =	strace $0x90000048  }
0xbd: {  	_ =	sfence  }
0xbe: {  	s30 =	sld [smem:$0x0];
	_ =	sdelay $0x2  }
0xbf: {  	s31 =	sshll.u32 s1, $0xD;
	s1 =	sshrl.u32 s1, $0x2  }
0xc0: {  	s3 =	sand.u32 $0x4000, s31;
	s1 =	sadd.s32 s1, s30  }
0xc1: {  	s0 =	sor.u32 s3, s0;
	s1 =	sshll.u32 s1, $0x11  }
0xc2: {  	s0 =	sor.u32 s1, s0  }
0xc3: {  	s0 =	sadd.s32 $0x8F2B, s0  }
0xc4: {  	[sflag:s0] =	ssyncadd.remote.s32 $0x1  }
0xc5: {  	_ =	sfence.sel $0xFFFF  }
0xc6: {  	[dreg:$0x0] =	wrdreg $0xFFFFFFFF;
	(pc) =	sbr.abs _section_cstart, $3  }
0xc7: {  	[dreg:$0x1] =	wrdreg $0xFFFFFFFF  }
0xc8: {  	_ =	task.clear_ibuf [dreg:s7], $0x2FFFF;
	_ =	strace $0x9FFFFFFF  }
0xc9: {  	(tm) =	ssettm $0x7FFFFFFF  }
tec
execute0_lowered:
.L_overlay_start_1:
0x0: {  	(tag) =	ssettag $0x1  }
0x1: {  	s4 =	rddreg [dreg:$0x0]  }
0x2: {  	s5 =	rddreg [dreg:$0x1]  }
0x3: {  	s2 =	rddreg [dreg:$0x2]  }
0x4: {  	s0 =	rddreg [dreg:$0x3]  }
0x5: {  	s3 =	simm.s32 $0x0;
	s6 =	srdreg.scid;
	s1 =	stileid.u32  }
0x6: {  	s11 =	simm.s32 $0x2800;
	s14 =	simm.s32 $0x20;
	s15 =	simm.s32 $0x10  }
0x7: {  	s16 =	simm.s32 $0x0;
	[smem:$0x7FF] =	sst s3;
	s7 =	smul.u32 $0x500, s1  }
0x8: {  	s6 =	sand.u32 $0x1, s6;
	s30 =	smul.u32 $0xA00, s1;
	s12 =	sshll.u32 s1, $0x6  }
0x9: {  	_ =	strace $0x80000047;
	s8 =	sshll.u32 s6, $0x7;
	s9 =	sshll.u32 s6, $0x4  }
0xa: {  	s6 =	ssub.s32 $0x2, s6;
	s12 =	sor.u32 $0x1C01, s12;
	s7 =	sor.u32 s8, s7  }
0xb: {  	s29 =	sor.u32 s1, s9;
	s31 =	sshrl.u32 s6, $0x1;
	s9 =	sshrl.u32 s30, $0x2  }
0xc: {  	s7 =	sshrl.u32 s7, $0x3;
	s8 =	smul.u32 $0x500, s29;
	s10 =	ssub.s32 s6, s31  }
0xd: {  	s7 =	sadd.s32 s7, s5;
	s5 =	sadd.s32 s9, s2;
	s9 =	simm.s32 $0x2880  }
0xe: {  	s4 =	sadd.s32 s4, s8;
	s6 =	sadd.s32 $0x2000, s7;
	s7 =	smax.u32 s10, $0x1  }
0xf: {  	v0 =	vimm.f32 $1.000000000e+00;
	v1 =	vimm.f32 $0.0e+00;
	s8 =	simm.s32 $0x1;
	s10 =	simm.s32 $0x80;
	s13 =	sshrl.u32 s5, $0x3  }
.LBB2_1:
0x10: {  	[tilespmem:s3], [sflag:$0x1] =	stream.linear.gather [hbm4b:s4+s3], $0x2800, $0x38;
	[tilespmem:$0x2D80] =	vst v63  }
0x11: {  	_ =	swait.ge [sflag:s8], $0x2800  }
0x12: {  	[sflag:s8] =	ssyncset.done $0x0  }
0x13: {  	[sflag:s8] =	ssyncadd.s32 $0xFFFFD800  }
0x14: {  	[tilespmem:$0x2800] =	vst v0  }
0x15: {  	[tilespmem:$0x2810] =	vst v0  }
0x16: {  	[tilespmem:$0x2820] =	vst v0  }
0x17: {  	[tilespmem:$0x2830] =	vst v0  }
0x18: {  	[tilespmem:$0x2840] =	vst v0  }
0x19: {  	[tilespmem:$0x2850] =	vst v0  }
0x1a: {  	[tilespmem:$0x2860] =	vst v0  }
0x1b: {  	[tilespmem:$0x2870] =	vst v0  }
0x1c: {  	[tilespmem:$0x2880] =	vst v1  }
0x1d: {  	[tilespmem:$0x2890] =	vst v1  }
0x1e: {  	[tilespmem:$0x28A0] =	vst v1  }
0x1f: {  	[tilespmem:$0x28B0] =	vst v1  }
0x20: {  	[tilespmem:$0x28C0] =	vst v1  }
0x21: {  	[tilespmem:$0x28D0] =	vst v1  }
0x22: {  	[tilespmem:$0x28E0] =	vst v1  }
0x23: {  	[tilespmem:$0x28F0] =	vst v1  }
0x24: {  	[tilespmem:$0x2900] =	vst v1  }
0x25: {  	[tilespmem:$0x2910] =	vst v1  }
0x26: {  	[tilespmem:$0x2920] =	vst v1  }
0x27: {  	[tilespmem:$0x2930] =	vst v1  }
0x28: {  	[tilespmem:$0x2940] =	vst v1  }
0x29: {  	[tilespmem:$0x2950] =	vst v1  }
0x2a: {  	[tilespmem:$0x2960] =	vst v1  }
0x2b: {  	[tilespmem:$0x2970] =	vst v1  }
0x2c: {  	[tilespmem:$0x2980] =	vst v1  }
0x2d: {  	[tilespmem:$0x2990] =	vst v1  }
0x2e: {  	[tilespmem:$0x29A0] =	vst v1  }
0x2f: {  	[tilespmem:$0x29B0] =	vst v1  }
0x30: {  	[tilespmem:$0x29C0] =	vst v1  }
0x31: {  	[tilespmem:$0x29D0] =	vst v1  }
0x32: {  	[tilespmem:$0x29E0] =	vst v1  }
0x33: {  	[tilespmem:$0x29F0] =	vst v1  }
0x34: {  	[tilespmem:$0x2A00] =	vst v1  }
0x35: {  	[tilespmem:$0x2A10] =	vst v1  }
0x36: {  	[tilespmem:$0x2A20] =	vst v1  }
0x37: {  	[tilespmem:$0x2A30] =	vst v1  }
0x38: {  	[tilespmem:$0x2A40] =	vst v1  }
0x39: {  	[tilespmem:$0x2A50] =	vst v1  }
0x3a: {  	[tilespmem:$0x2A60] =	vst v1  }
0x3b: {  	[tilespmem:$0x2A70] =	vst v1  }
0x3c: {  	[tilespmem:$0x2A80] =	vst v1  }
0x3d: {  	[tilespmem:$0x2A90] =	vst v1  }
0x3e: {  	[tilespmem:$0x2AA0] =	vst v1  }
0x3f: {  	[tilespmem:$0x2AB0] =	vst v1  }
0x40: {  	[tilespmem:$0x2AC0] =	vst v1  }
0x41: {  	[tilespmem:$0x2AD0] =	vst v1  }
0x42: {  	[tilespmem:$0x2AE0] =	vst v1  }
0x43: {  	[tilespmem:$0x2AF0] =	vst v1  }
0x44: {  	[spmem:s5] =	stream.linear.scatter [tilespmem:s9], [sflag:$0x1], $0x280, $0x38;
	[tilespmem:$0x2D80] =	vst v63  }
0x45: {  	_ =	swait.ge [sflag:s8], $0x280  }
0x46: {  	[sflag:s8] =	ssyncset.done $0x0  }
0x47: {  	[sflag:s8] =	ssyncadd.s32 $0xFFFFFD80  }
0x48: {  	s17 =	simm.s32 $0x0;
	[bflag:$0x0] =	sbarrier.arrive $0xFFFF  }
0x49: {  	[spmem:s2] =	stream.indirect.scatter.add.f32 [tilespmem:s11], [sflag:$0x1], $0x1, s17, s10, $0xb8;
	[tilespmem:$0x2D80] =	vst v63  }
0x4a: {  	_ =	swait.ge [sflag:s8], $0x80  }
0x4b: {  	s17 =	simm.s32 $0x200;
	[sflag:s8] =	ssyncset.done $0x0  }
.LBB2_2:
0x4c: {  	s18 =	sshra.s32 s17, $0x2;
	[sflag:s8] =	ssyncadd.s32 $0xFFFFFF80;
	p0 =	sne.s32 s17, $0x9E00  }
0x4d: {  	[spmem:s2] =	stream.indirect.scatter.add.f32 [tilespmem:s11], [sflag:$0x1], $0x1, s18, s10, $0xb8;
	[tilespmem:$0x2D80] =	vst v63  }
.Ltmp0:
0x4e: {  	_ = 	snop;
	(pc) =	sbr.rel @p0 .LBB2_2-.Ltmp0, $4  }
0x4f: {  	_ = 	snop  }
0x50: {  	s17 =	sadd.s32 $0x200, s17  }
0x51: {  	_ =	swait.ge [sflag:s8], $0x80  }
0x52: {  	[sflag:s8] =	ssyncset.done $0x0  }
0x53: {  	s16 =	sadd.s32 $0x1, s16  }
0x54: {  	[sflag:s8] =	ssyncadd.s32 $0xFFFFFF80;
	p0 =	sne.s32 s16, s7  }
.Ltmp1:
0x55: {  	[bflag:$0x0] =	sbarrier.arrive $0xFFFF;
	(pc) =	sbr.rel @p0 .LBB2_1-.Ltmp1, $4  }
0x56: {  	[hbm:s6@s14], [sflag:s12] =	dma.strided [spmem:s13@s15], $0x50, s8, $0x10   }
0x57: {  	_ =	swait.ge [sflag:s8], $0x50  }
0x58: {  	[sflag:s8] =	ssyncset.done $0x0  }
0x59: {  	[sflag:s8] =	ssyncadd.s32 $0xFFFFFFB0  }
0x5a: {  	_ =	sfence.sel $0x180000  }
0x5b: {  	[bflag:$0x0] =	sbarrier.arrive $0xFFFF  }
0x5c: {  	p0 =	sne.s32 s1, $0x0;
	_ =	strace $0x90000047  }
0x5d: {  	s0 =	sadd.s32 @!p0 $0x100000, s0;
	[bflag:$0x2] =	sbarrier.arrive $0xFFFF  }
0x5e: {  	[sflag:s0] =	ssyncadd.tile.s32 @!p0 $0x1;
	_ =	shalt  }
.Lfunc_end2:
_tile_overlayer_lowered:
.L_overlay_start_2:
0x5f: {  	(tag) =	ssettag $0x2  }
0x60: {  	s0 =	rddreg [dreg:$0x0];
	s2 =	stileid.u32  }
0x61: {  	s1 =	rddreg [dreg:$0x1];
	p0 =	sne.s32 s2, $0x0  }
0x62: {  	s3 =	rddreg [dreg:$0x2];
	[bflag:$0x3] =	sbarrier.arrive $0xFFFF;
	s2 =	simm.s32 @!p0 $0x1C01  }
0x63: {  	[timem:s3], [sflag:s2] =	dma.local @!p0 [hbm:s0], s1  }
0x64: {  	s0 =	simm.s32 @!p0 $0x1  }
0x65: {  	_ =	swait.ge @!p0 [sflag:s0], s1  }
0x66: {  	s1 =	ssub.s32 @!p0 $0x0, s1;
	[sflag:s0] =	ssyncset.done @!p0 $0x0  }
0x67: {  	[sflag:s0] =	ssyncadd.s32 @!p0 s1  }
0x68: {  	[bflag:$0x3] =	sbarrier.arrive $0xFFFF  }
0x69: {  	_ =	shalt  }

</sc_bundles>
